<compile_context>
chip_gen: v7x
topology: tpu7x:2x2x1
jax: 0.10.2.dev20260603
libtpu: 0.0.44.dev20260713+nightly
codegen_flags: <defaults>
</compile_context>

<pallas_src>
import functools

import jax
import jax.numpy as jnp
from jax import lax
from jax.experimental import pallas as pl
from jax.experimental.pallas import tpu as pltpu
from jax.experimental.pallas import tpu_sc as plsc

_B = 16384
_D = 128
_LANES = 16
_NC = 2
_NS = 16
_NW = _NC * _NS
_ROWS_PER_W = _B // _NW
_SIZES = (64, 128, 128, 128, 64)
_OFFS = tuple(sum(_SIZES[:i]) for i in range(len(_SIZES)))
_NCHUNK = len(_SIZES)
assert sum(_SIZES) == _ROWS_PER_W


def _sc_gather_mult(in_repr, group_idx, lambdas):
    mesh = plsc.VectorSubcoreMesh(core_axis_name="c", subcore_axis_name="s")

    lam_scratch = [pltpu.VMEM((s, _D), jnp.float32) for s in _SIZES]
    x_scratch = [pltpu.VMEM((max(_SIZES), _D), jnp.float32) for _ in range(2)]
    sems = [pltpu.SemaphoreType.DMA for _ in range(2 * _NCHUNK + 2)]

    @functools.partial(
        pl.kernel,
        out_type=jax.ShapeDtypeStruct((_B, _D), jnp.float32),
        mesh=mesh,
        scratch_types=(
            [pltpu.VMEM((_ROWS_PER_W,), jnp.int32)]
            + lam_scratch + x_scratch + sems
        ),
    )
    def k(in_hbm, idx_hbm, lam_hbm, out_hbm, idx_v, *bufs):
        lam = list(bufs[:_NCHUNK])
        xb = list(bufs[_NCHUNK:_NCHUNK + 2])
        gsem = list(bufs[_NCHUNK + 2:2 * _NCHUNK + 2])
        xsem = list(bufs[2 * _NCHUNK + 2:2 * _NCHUNK + 4])
        osem = list(bufs[2 * _NCHUNK + 4:])

        wid = lax.axis_index("s") * _NC + lax.axis_index("c")
        base = wid * _ROWS_PER_W

        xgets = [None] * _NCHUNK
        puts = [None] * _NCHUNK

        def start_x(c):
            xgets[c] = pltpu.async_copy(
                in_hbm.at[pl.ds(base + _OFFS[c], _SIZES[c])],
                xb[c % 2].at[pl.ds(0, _SIZES[c])],
                xsem[c % 2],
            )

        start_x(0)
        start_x(1)

        def start_gather(c):
            return pltpu.async_copy(
                lam_hbm.at[idx_v.at[pl.ds(_OFFS[c], _SIZES[c])]], lam[c], gsem[c]
            )

        pltpu.sync_copy(idx_hbm.at[pl.ds(base, _ROWS_PER_W)], idx_v)
        gets = [start_gather(c) for c in range(_NCHUNK)]
        for c in range(_NCHUNK):
            xv = xb[c % 2]
            gets[c].wait()
            xgets[c].wait()

            @pl.loop(0, _SIZES[c])
            def _(r):
                for c0 in range(0, _D, _LANES):
                    lam[c][r, pl.ds(c0, _LANES)] = (
                        lam[c][r, pl.ds(c0, _LANES)] * xv[r, pl.ds(c0, _LANES)]
                    )

            puts[c] = pltpu.async_copy(
                lam[c], out_hbm.at[pl.ds(base + _OFFS[c], _SIZES[c])], osem[c % 2]
            )
            if c + 2 < _NCHUNK:
                start_x(c + 2)
        for c in range(_NCHUNK):
            puts[c].wait()

    return k(in_repr, group_idx, lambdas)


def kernel(in_repr, group_idx, lambdas):
    return _sc_gather_mult(in_repr, group_idx.astype(jnp.int32), lambdas)

# --- scband reference (transcript-rebuilt; emitter-appended) ---
"""Pipeline reference for scband-prototype-multiply-29429115912553 (READ-ONLY COPY).

The authoritative reference and input builder live on the scoring server;
editing this copy changes nothing except your own understanding.
"""

import jax, jax.numpy as jnp
import numpy as np

N_PROTOTYPES = 128
N_GROUPS = 100000
BATCH = 16384

def setup_inputs(seed: int = 0) -> dict:
    key = jax.random.key(seed)
    k1, k2, k3 = jax.random.split(key, 3)
    in_repr = jax.random.normal(k1, (BATCH, N_PROTOTYPES), dtype=jnp.float32)
    group_idx = jax.random.randint(k2, (BATCH,), 0, N_GROUPS, dtype=jnp.int64)
    # learned parameter: lambdas ~ 0.25 * randn + 2
    lambdas = 0.25 * jax.random.normal(k3, (N_GROUPS, N_PROTOTYPES), dtype=jnp.float32) + 2.0
    return {"in_repr": in_repr, "group_idx": group_idx, "lambdas": lambdas}

def reference(in_repr, group_idx, lambdas):
    # gather per-example lambdas (embedding lookup), then elementwise multiply
    lam = jnp.take(lambdas, group_idx, axis=0)  # [B, n_prototypes]
    # use_sigmoid=False, so no sigmoid applied
    return in_repr * lam

if __name__ == "__main__":
    import jax
    _d = setup_inputs()
    print(jax.jit(kernel)(*tuple(_d.values())))

</pallas_src>

<mosaic_0001>
#map = affine_map<(d0, d1) -> (0, 0)>
#map1 = affine_map<(d0, d1) -> (0)>
module attributes {stable_mosaic.version = 14 : i64} {
  func.func @k(%arg0: i32, %arg1: i32, %arg2: memref<16384x128xf32, #tpu.memory_space<hbm>>, %arg3: memref<16384xi32, #tpu.memory_space<hbm>>, %arg4: memref<100000x128xf32, #tpu.memory_space<hbm>>, %arg5: memref<16384x128xf32, #tpu.memory_space<hbm>>, %arg6: memref<512xi32, #tpu.memory_space<vmem>>, %arg7: memref<64x128xf32, #tpu.memory_space<vmem>>, %arg8: memref<128x128xf32, #tpu.memory_space<vmem>>, %arg9: memref<128x128xf32, #tpu.memory_space<vmem>>, %arg10: memref<128x128xf32, #tpu.memory_space<vmem>>, %arg11: memref<64x128xf32, #tpu.memory_space<vmem>>, %arg12: memref<128x128xf32, #tpu.memory_space<vmem>>, %arg13: memref<128x128xf32, #tpu.memory_space<vmem>>, %arg14: memref<!tpu.dma_semaphore, #tpu.memory_space<semaphore_mem>>, %arg15: memref<!tpu.dma_semaphore, #tpu.memory_space<semaphore_mem>>, %arg16: memref<!tpu.dma_semaphore, #tpu.memory_space<semaphore_mem>>, %arg17: memref<!tpu.dma_semaphore, #tpu.memory_space<semaphore_mem>>, %arg18: memref<!tpu.dma_semaphore, #tpu.memory_space<semaphore_mem>>, %arg19: memref<!tpu.dma_semaphore, #tpu.memory_space<semaphore_mem>>, %arg20: memref<!tpu.dma_semaphore, #tpu.memory_space<semaphore_mem>>, %arg21: memref<!tpu.dma_semaphore, #tpu.memory_space<semaphore_mem>>, %arg22: memref<!tpu.dma_semaphore, #tpu.memory_space<semaphore_mem>>, %arg23: memref<!tpu.dma_semaphore, #tpu.memory_space<semaphore_mem>>, %arg24: memref<!tpu.dma_semaphore, #tpu.memory_space<semaphore_mem>>, %arg25: memref<!tpu.dma_semaphore, #tpu.memory_space<semaphore_mem>>) attributes {dimension_semantics = [#tpu.dimension_semantics<core_parallel>, #tpu.dimension_semantics<subcore_parallel>], iteration_bounds = array<i64: 2, 16>, scalar_prefetch = 0 : i64, scratch_operands = 20 : i64, tpu.core_type = #tpu.core_type<sc_vector_subcore>, window_params = [{transform_indices = #map}, {transform_indices = #map1}, {transform_indices = #map}, {transform_indices = #map}]} {
    %mul3A = arith.constant 2 : i32
    %mul3A_0 = arith.muli %arg1, %mul3A : i32
    %add3A = arith.addi %mul3A_0, %arg0 : i32
    %mul3A_1 = arith.constant 512 : i32
    %mul3A_2 = arith.muli %add3A, %mul3A_1 : i32
    %add3A_3 = arith.constant 0 : i32
    %add3A_4 = arith.addi %mul3A_2, %add3A_3 : i32
    %dma_start3A = arith.constant 0 : i32
    %dma_start3A_5 = arith.constant 0 : i32
    %dma_start3A_6 = tpu.memref_slice %arg12[%dma_start3A, %dma_start3A_5] : memref<128x128xf32, #tpu.memory_space<vmem>> -> memref<64x128xf32, #tpu.memory_space<vmem>>
    %dma_start3A_7 = arith.constant 0 : i32
    %dma_start3A_8 = tpu.memref_slice %arg2[%add3A_4, %dma_start3A_7] : memref<16384x128xf32, #tpu.memory_space<hbm>> -> memref<64x128xf32, #tpu.memory_space<hbm>>
    %dma_start3A_9 = arith.constant 0 : i32
    %dma_start3A_10 = arith.constant 0 : i32
    %dma_start3A_11 = tpu.memref_slice %arg12[%dma_start3A_9, %dma_start3A_10] : memref<128x128xf32, #tpu.memory_space<vmem>> -> memref<64x128xf32, #tpu.memory_space<vmem>>
    %dma_start3A_12 = arith.constant 0 : i32
    %dma_start3A_13 = tpu.memref_slice %arg2[%add3A_4, %dma_start3A_12] : memref<16384x128xf32, #tpu.memory_space<hbm>> -> memref<64x128xf32, #tpu.memory_space<hbm>>
    tpu.enqueue_dma source(%dma_start3A_13 : memref<64x128xf32, #tpu.memory_space<hbm>>) target(%dma_start3A_11 : memref<64x128xf32, #tpu.memory_space<vmem>>) target_semaphore(%arg19 : memref<!tpu.dma_semaphore, #tpu.memory_space<semaphore_mem>>)
    %add3A_14 = arith.constant 64 : i32
    %add3A_15 = arith.addi %mul3A_2, %add3A_14 : i32
    %dma_start3A_16 = arith.constant 0 : i32
    %dma_start3A_17 = arith.constant 0 : i32
    %dma_start3A_18 = tpu.memref_slice %arg13[%dma_start3A_16, %dma_start3A_17] : memref<128x128xf32, #tpu.memory_space<vmem>> -> memref<128x128xf32, #tpu.memory_space<vmem>>
    %dma_start3A_19 = arith.constant 0 : i32
    %dma_start3A_20 = tpu.memref_slice %arg2[%add3A_15, %dma_start3A_19] : memref<16384x128xf32, #tpu.memory_space<hbm>> -> memref<128x128xf32, #tpu.memory_space<hbm>>
    %dma_start3A_21 = arith.constant 0 : i32
    %dma_start3A_22 = arith.constant 0 : i32
    %dma_start3A_23 = tpu.memref_slice %arg13[%dma_start3A_21, %dma_start3A_22] : memref<128x128xf32, #tpu.memory_space<vmem>> -> memref<128x128xf32, #tpu.memory_space<vmem>>
    %dma_start3A_24 = arith.constant 0 : i32
    %dma_start3A_25 = tpu.memref_slice %arg2[%add3A_15, %dma_start3A_24] : memref<16384x128xf32, #tpu.memory_space<hbm>> -> memref<128x128xf32, #tpu.memory_space<hbm>>
    tpu.enqueue_dma source(%dma_start3A_25 : memref<128x128xf32, #tpu.memory_space<hbm>>) target(%dma_start3A_23 : memref<128x128xf32, #tpu.memory_space<vmem>>) target_semaphore(%arg20 : memref<!tpu.dma_semaphore, #tpu.memory_space<semaphore_mem>>)
    "tpu.region"() ({
      %run_scoped3A = tpu.sem_alloc : memref<!tpu.dma_semaphore, #tpu.memory_space<semaphore_mem>>
      %dma_start3A_235 = tpu.memref_slice %arg3[%mul3A_2] : memref<16384xi32, #tpu.memory_space<hbm>> -> memref<512xi32, #tpu.memory_space<hbm>>
      %dma_start3A_236 = tpu.memref_slice %arg3[%mul3A_2] : memref<16384xi32, #tpu.memory_space<hbm>> -> memref<512xi32, #tpu.memory_space<hbm>>
      tpu.enqueue_dma source(%dma_start3A_236 : memref<512xi32, #tpu.memory_space<hbm>>) target(%arg6 : memref<512xi32, #tpu.memory_space<vmem>>) target_semaphore(%run_scoped3A : memref<!tpu.dma_semaphore, #tpu.memory_space<semaphore_mem>>)
      %dma_wait3A_237 = tpu.memref_slice %arg3[%mul3A_2] : memref<16384xi32, #tpu.memory_space<hbm>> -> memref<512xi32, #tpu.memory_space<hbm>>
      %dma_wait3A_238 = tpu.memref_slice %arg3[%mul3A_2] : memref<16384xi32, #tpu.memory_space<hbm>> -> memref<512xi32, #tpu.memory_space<hbm>>
      tpu.wait_dma2 semaphore(%run_scoped3A : memref<!tpu.dma_semaphore, #tpu.memory_space<semaphore_mem>>) src(%dma_wait3A_238 : memref<512xi32, #tpu.memory_space<hbm>>) dst(%arg6 : memref<512xi32, #tpu.memory_space<vmem>>)
      tpu.yield
    }) : () -> ()
    %dma_start3A_26 = arith.constant 0 : i32
    %dma_start3A_27 = tpu.memref_slice %arg6[%dma_start3A_26] : memref<512xi32, #tpu.memory_space<vmem>> -> memref<64xi32, #tpu.memory_space<vmem>>
    %dma_start3A_28 = arith.constant 0 : i32
    %dma_start3A_29 = arith.constant 0 : i32
    %dma_start3A_30 = tpu.memref_slice %arg4[%dma_start3A_28, %dma_start3A_29] : memref<100000x128xf32, #tpu.memory_space<hbm>> -> memref<100000x128xf32, #tpu.memory_space<hbm>>
    tpu.enqueue_indirect_dma source(%dma_start3A_30 : memref<100000x128xf32, #tpu.memory_space<hbm>>) target(%arg7 : memref<64x128xf32, #tpu.memory_space<vmem>>) offsets(%dma_start3A_27 : memref<64xi32, #tpu.memory_space<vmem>>) semaphore(%arg14 : memref<!tpu.dma_semaphore, #tpu.memory_space<semaphore_mem>>)
    %dma_start3A_31 = arith.constant 64 : i32
    %dma_start3A_32 = tpu.memref_slice %arg6[%dma_start3A_31] : memref<512xi32, #tpu.memory_space<vmem>> -> memref<128xi32, #tpu.memory_space<vmem>>
    %dma_start3A_33 = arith.constant 0 : i32
    %dma_start3A_34 = arith.constant 0 : i32
    %dma_start3A_35 = tpu.memref_slice %arg4[%dma_start3A_33, %dma_start3A_34] : memref<100000x128xf32, #tpu.memory_space<hbm>> -> memref<100000x128xf32, #tpu.memory_space<hbm>>
    tpu.enqueue_indirect_dma source(%dma_start3A_35 : memref<100000x128xf32, #tpu.memory_space<hbm>>) target(%arg8 : memref<128x128xf32, #tpu.memory_space<vmem>>) offsets(%dma_start3A_32 : memref<128xi32, #tpu.memory_space<vmem>>) semaphore(%arg15 : memref<!tpu.dma_semaphore, #tpu.memory_space<semaphore_mem>>)
    %dma_start3A_36 = arith.constant 192 : i32
    %dma_start3A_37 = tpu.memref_slice %arg6[%dma_start3A_36] : memref<512xi32, #tpu.memory_space<vmem>> -> memref<128xi32, #tpu.memory_space<vmem>>
    %dma_start3A_38 = arith.constant 0 : i32
    %dma_start3A_39 = arith.constant 0 : i32
    %dma_start3A_40 = tpu.memref_slice %arg4[%dma_start3A_38, %dma_start3A_39] : memref<100000x128xf32, #tpu.memory_space<hbm>> -> memref<100000x128xf32, #tpu.memory_space<hbm>>
    tpu.enqueue_indirect_dma source(%dma_start3A_40 : memref<100000x128xf32, #tpu.memory_space<hbm>>) target(%arg9 : memref<128x128xf32, #tpu.memory_space<vmem>>) offsets(%dma_start3A_37 : memref<128xi32, #tpu.memory_space<vmem>>) semaphore(%arg16 : memref<!tpu.dma_semaphore, #tpu.memory_space<semaphore_mem>>)
    %dma_start3A_41 = arith.constant 320 : i32
    %dma_start3A_42 = tpu.memref_slice %arg6[%dma_start3A_41] : memref<512xi32, #tpu.memory_space<vmem>> -> memref<128xi32, #tpu.memory_space<vmem>>
    %dma_start3A_43 = arith.constant 0 : i32
    %dma_start3A_44 = arith.constant 0 : i32
    %dma_start3A_45 = tpu.memref_slice %arg4[%dma_start3A_43, %dma_start3A_44] : memref<100000x128xf32, #tpu.memory_space<hbm>> -> memref<100000x128xf32, #tpu.memory_space<hbm>>
    tpu.enqueue_indirect_dma source(%dma_start3A_45 : memref<100000x128xf32, #tpu.memory_space<hbm>>) target(%arg10 : memref<128x128xf32, #tpu.memory_space<vmem>>) offsets(%dma_start3A_42 : memref<128xi32, #tpu.memory_space<vmem>>) semaphore(%arg17 : memref<!tpu.dma_semaphore, #tpu.memory_space<semaphore_mem>>)
    %dma_start3A_46 = arith.constant 448 : i32
    %dma_start3A_47 = tpu.memref_slice %arg6[%dma_start3A_46] : memref<512xi32, #tpu.memory_space<vmem>> -> memref<64xi32, #tpu.memory_space<vmem>>
    %dma_start3A_48 = arith.constant 0 : i32
    %dma_start3A_49 = arith.constant 0 : i32
    %dma_start3A_50 = tpu.memref_slice %arg4[%dma_start3A_48, %dma_start3A_49] : memref<100000x128xf32, #tpu.memory_space<hbm>> -> memref<100000x128xf32, #tpu.memory_space<hbm>>
    tpu.enqueue_indirect_dma source(%dma_start3A_50 : memref<100000x128xf32, #tpu.memory_space<hbm>>) target(%arg11 : memref<64x128xf32, #tpu.memory_space<vmem>>) offsets(%dma_start3A_47 : memref<64xi32, #tpu.memory_space<vmem>>) semaphore(%arg18 : memref<!tpu.dma_semaphore, #tpu.memory_space<semaphore_mem>>)
    %dma_wait3A = arith.constant 0 : i32
    %dma_wait3A_51 = tpu.memref_slice %arg6[%dma_wait3A] : memref<512xi32, #tpu.memory_space<vmem>> -> memref<64xi32, #tpu.memory_space<vmem>>
    %dma_wait3A_52 = arith.constant 0 : i32
    %dma_wait3A_53 = arith.constant 0 : i32
    %dma_wait3A_54 = tpu.memref_slice %arg4[%dma_wait3A_52, %dma_wait3A_53] : memref<100000x128xf32, #tpu.memory_space<hbm>> -> memref<100000x128xf32, #tpu.memory_space<hbm>>
    tpu.wait_indirect_dma semaphore(%arg14 : memref<!tpu.dma_semaphore, #tpu.memory_space<semaphore_mem>>) src(%dma_wait3A_54 : memref<100000x128xf32, #tpu.memory_space<hbm>>) dst(%arg7 : memref<64x128xf32, #tpu.memory_space<vmem>>)
    %dma_wait3A_55 = arith.constant 0 : i32
    %dma_wait3A_56 = arith.constant 0 : i32
    %dma_wait3A_57 = tpu.memref_slice %arg12[%dma_wait3A_55, %dma_wait3A_56] : memref<128x128xf32, #tpu.memory_space<vmem>> -> memref<64x128xf32, #tpu.memory_space<vmem>>
    %dma_wait3A_58 = arith.constant 0 : i32
    %dma_wait3A_59 = tpu.memref_slice %arg2[%add3A_4, %dma_wait3A_58] : memref<16384x128xf32, #tpu.memory_space<hbm>> -> memref<64x128xf32, #tpu.memory_space<hbm>>
    %dma_wait3A_60 = arith.constant 0 : i32
    %dma_wait3A_61 = arith.constant 0 : i32
    %dma_wait3A_62 = tpu.memref_slice %arg12[%dma_wait3A_60, %dma_wait3A_61] : memref<128x128xf32, #tpu.memory_space<vmem>> -> memref<64x128xf32, #tpu.memory_space<vmem>>
    %dma_wait3A_63 = arith.constant 0 : i32
    %dma_wait3A_64 = tpu.memref_slice %arg2[%add3A_4, %dma_wait3A_63] : memref<16384x128xf32, #tpu.memory_space<hbm>> -> memref<64x128xf32, #tpu.memory_space<hbm>>
    tpu.wait_dma2 semaphore(%arg19 : memref<!tpu.dma_semaphore, #tpu.memory_space<semaphore_mem>>) src(%dma_wait3A_64 : memref<64x128xf32, #tpu.memory_space<hbm>>) dst(%dma_wait3A_62 : memref<64x128xf32, #tpu.memory_space<vmem>>)
    %scan3A = arith.constant 0 : i32
    %scan3A_65 = arith.constant 64 : i32
    %scan3A_66 = arith.addi %scan3A, %scan3A_65 : i32
    %scan3A_67 = arith.constant 1 : i32
    scf.for %scan3A_235 = %scan3A to %scan3A_66 step %scan3A_67  : i32 {
      %mul3A_236 = arith.constant 1 : i32
      %mul3A_237 = arith.muli %scan3A_235, %mul3A_236 : i32
      %add3A_238 = arith.constant 0 : i32
      %add3A_239 = arith.addi %add3A_238, %mul3A_237 : i32
      %get3A = arith.index_cast %add3A_239 : i32 to index
      %get3A_240 = arith.constant 0 : index
      %get3A_241 = tpu.vector_load %arg7[%get3A, %get3A_240] {strides = array<i32>} : memref<64x128xf32, #tpu.memory_space<vmem>>, vector<1x16xf32>,
      %get3A_242 = vector.shape_cast %get3A_241 : vector<1x16xf32> to vector<16xf32>
      %get3A_243 = arith.index_cast %add3A_239 : i32 to index
      %get3A_244 = arith.constant 0 : index
      %get3A_245 = tpu.vector_load %arg12[%get3A_243, %get3A_244] {strides = array<i32>} : memref<128x128xf32, #tpu.memory_space<vmem>>, vector<1x16xf32>,
      %get3A_246 = vector.shape_cast %get3A_245 : vector<1x16xf32> to vector<16xf32>
      %mul3A_247 = arith.mulf %get3A_242, %get3A_246 : vector<16xf32>
      %swap3A = arith.index_cast %add3A_239 : i32 to index
      %swap3A_248 = arith.constant 0 : index
      %swap3A_249 = tpu.vector_load %arg7[%swap3A, %swap3A_248] {strides = array<i32>} : memref<64x128xf32, #tpu.memory_space<vmem>>, vector<1x16xf32>,
      %swap3A_250 = vector.shape_cast %swap3A_249 : vector<1x16xf32> to vector<16xf32>
      %swap3A_251 = vector.shape_cast %mul3A_247 : vector<16xf32> to vector<1x16xf32>
      tpu.vector_store %arg7[%swap3A, %swap3A_248], %swap3A_251 {strides = array<i32>} : memref<64x128xf32, #tpu.memory_space<vmem>>, vector<1x16xf32>,
      %get3A_252 = arith.index_cast %add3A_239 : i32 to index
      %get3A_253 = arith.constant 16 : index
      %get3A_254 = tpu.vector_load %arg7[%get3A_252, %get3A_253] {strides = array<i32>} : memref<64x128xf32, #tpu.memory_space<vmem>>, vector<1x16xf32>,
      %get3A_255 = vector.shape_cast %get3A_254 : vector<1x16xf32> to vector<16xf32>
      %get3A_256 = arith.index_cast %add3A_239 : i32 to index
      %get3A_257 = arith.constant 16 : index
      %get3A_258 = tpu.vector_load %arg12[%get3A_256, %get3A_257] {strides = array<i32>} : memref<128x128xf32, #tpu.memory_space<vmem>>, vector<1x16xf32>,
      %get3A_259 = vector.shape_cast %get3A_258 : vector<1x16xf32> to vector<16xf32>
      %mul3A_260 = arith.mulf %get3A_255, %get3A_259 : vector<16xf32>
      %swap3A_261 = arith.index_cast %add3A_239 : i32 to index
      %swap3A_262 = arith.constant 16 : index
      %swap3A_263 = tpu.vector_load %arg7[%swap3A_261, %swap3A_262] {strides = array<i32>} : memref<64x128xf32, #tpu.memory_space<vmem>>, vector<1x16xf32>,
      %swap3A_264 = vector.shape_cast %swap3A_263 : vector<1x16xf32> to vector<16xf32>
      %swap3A_265 = vector.shape_cast %mul3A_260 : vector<16xf32> to vector<1x16xf32>
      tpu.vector_store %arg7[%swap3A_261, %swap3A_262], %swap3A_265 {strides = array<i32>} : memref<64x128xf32, #tpu.memory_space<vmem>>, vector<1x16xf32>,
      %get3A_266 = arith.index_cast %add3A_239 : i32 to index
      %get3A_267 = arith.constant 32 : index
      %get3A_268 = tpu.vector_load %arg7[%get3A_266, %get3A_267] {strides = array<i32>} : memref<64x128xf32, #tpu.memory_space<vmem>>, vector<1x16xf32>,
      %get3A_269 = vector.shape_cast %get3A_268 : vector<1x16xf32> to vector<16xf32>
      %get3A_270 = arith.index_cast %add3A_239 : i32 to index
      %get3A_271 = arith.constant 32 : index
      %get3A_272 = tpu.vector_load %arg12[%get3A_270, %get3A_271] {strides = array<i32>} : memref<128x128xf32, #tpu.memory_space<vmem>>, vector<1x16xf32>,
      %get3A_273 = vector.shape_cast %get3A_272 : vector<1x16xf32> to vector<16xf32>
      %mul3A_274 = arith.mulf %get3A_269, %get3A_273 : vector<16xf32>
      %swap3A_275 = arith.index_cast %add3A_239 : i32 to index
      %swap3A_276 = arith.constant 32 : index
      %swap3A_277 = tpu.vector_load %arg7[%swap3A_275, %swap3A_276] {strides = array<i32>} : memref<64x128xf32, #tpu.memory_space<vmem>>, vector<1x16xf32>,
      %swap3A_278 = vector.shape_cast %swap3A_277 : vector<1x16xf32> to vector<16xf32>
      %swap3A_279 = vector.shape_cast %mul3A_274 : vector<16xf32> to vector<1x16xf32>
      tpu.vector_store %arg7[%swap3A_275, %swap3A_276], %swap3A_279 {strides = array<i32>} : memref<64x128xf32, #tpu.memory_space<vmem>>, vector<1x16xf32>,
      %get3A_280 = arith.index_cast %add3A_239 : i32 to index
      %get3A_281 = arith.constant 48 : index
      %get3A_282 = tpu.vector_load %arg7[%get3A_280, %get3A_281] {strides = array<i32>} : memref<64x128xf32, #tpu.memory_space<vmem>>, vector<1x16xf32>,
      %get3A_283 = vector.shape_cast %get3A_282 : vector<1x16xf32> to vector<16xf32>
      %get3A_284 = arith.index_cast %add3A_239 : i32 to index
      %get3A_285 = arith.constant 48 : index
      %get3A_286 = tpu.vector_load %arg12[%get3A_284, %get3A_285] {strides = array<i32>} : memref<128x128xf32, #tpu.memory_space<vmem>>, vector<1x16xf32>,
      %get3A_287 = vector.shape_cast %get3A_286 : vector<1x16xf32> to vector<16xf32>
      %mul3A_288 = arith.mulf %get3A_283, %get3A_287 : vector<16xf32>
      %swap3A_289 = arith.index_cast %add3A_239 : i32 to index
      %swap3A_290 = arith.constant 48 : index
      %swap3A_291 = tpu.vector_load %arg7[%swap3A_289, %swap3A_290] {strides = array<i32>} : memref<64x128xf32, #tpu.memory_space<vmem>>, vector<1x16xf32>,
      %swap3A_292 = vector.shape_cast %swap3A_291 : vector<1x16xf32> to vector<16xf32>
      %swap3A_293 = vector.shape_cast %mul3A_288 : vector<16xf32> to vector<1x16xf32>
      tpu.vector_store %arg7[%swap3A_289, %swap3A_290], %swap3A_293 {strides = array<i32>} : memref<64x128xf32, #tpu.memory_space<vmem>>, vector<1x16xf32>,
      %get3A_294 = arith.index_cast %add3A_239 : i32 to index
      %get3A_295 = arith.constant 64 : index
      %get3A_296 = tpu.vector_load %arg7[%get3A_294, %get3A_295] {strides = array<i32>} : memref<64x128xf32, #tpu.memory_space<vmem>>, vector<1x16xf32>,
      %get3A_297 = vector.shape_cast %get3A_296 : vector<1x16xf32> to vector<16xf32>
      %get3A_298 = arith.index_cast %add3A_239 : i32 to index
      %get3A_299 = arith.constant 64 : index
      %get3A_300 = tpu.vector_load %arg12[%get3A_298, %get3A_299] {strides = array<i32>} : memref<128x128xf32, #tpu.memory_space<vmem>>, vector<1x16xf32>,
      %get3A_301 = vector.shape_cast %get3A_300 : vector<1x16xf32> to vector<16xf32>
      %mul3A_302 = arith.mulf %get3A_297, %get3A_301 : vector<16xf32>
      %swap3A_303 = arith.index_cast %add3A_239 : i32 to index
      %swap3A_304 = arith.constant 64 : index
      %swap3A_305 = tpu.vector_load %arg7[%swap3A_303, %swap3A_304] {strides = array<i32>} : memref<64x128xf32, #tpu.memory_space<vmem>>, vector<1x16xf32>,
      %swap3A_306 = vector.shape_cast %swap3A_305 : vector<1x16xf32> to vector<16xf32>
      %swap3A_307 = vector.shape_cast %mul3A_302 : vector<16xf32> to vector<1x16xf32>
      tpu.vector_store %arg7[%swap3A_303, %swap3A_304], %swap3A_307 {strides = array<i32>} : memref<64x128xf32, #tpu.memory_space<vmem>>, vector<1x16xf32>,
      %get3A_308 = arith.index_cast %add3A_239 : i32 to index
      %get3A_309 = arith.constant 80 : index
      %get3A_310 = tpu.vector_load %arg7[%get3A_308, %get3A_309] {strides = array<i32>} : memref<64x128xf32, #tpu.memory_space<vmem>>, vector<1x16xf32>,
      %get3A_311 = vector.shape_cast %get3A_310 : vector<1x16xf32> to vector<16xf32>
      %get3A_312 = arith.index_cast %add3A_239 : i32 to index
      %get3A_313 = arith.constant 80 : index
      %get3A_314 = tpu.vector_load %arg12[%get3A_312, %get3A_313] {strides = array<i32>} : memref<128x128xf32, #tpu.memory_space<vmem>>, vector<1x16xf32>,
      %get3A_315 = vector.shape_cast %get3A_314 : vector<1x16xf32> to vector<16xf32>
      %mul3A_316 = arith.mulf %get3A_311, %get3A_315 : vector<16xf32>
      %swap3A_317 = arith.index_cast %add3A_239 : i32 to index
      %swap3A_318 = arith.constant 80 : index
      %swap3A_319 = tpu.vector_load %arg7[%swap3A_317, %swap3A_318] {strides = array<i32>} : memref<64x128xf32, #tpu.memory_space<vmem>>, vector<1x16xf32>,
      %swap3A_320 = vector.shape_cast %swap3A_319 : vector<1x16xf32> to vector<16xf32>
      %swap3A_321 = vector.shape_cast %mul3A_316 : vector<16xf32> to vector<1x16xf32>
      tpu.vector_store %arg7[%swap3A_317, %swap3A_318], %swap3A_321 {strides = array<i32>} : memref<64x128xf32, #tpu.memory_space<vmem>>, vector<1x16xf32>,
      %get3A_322 = arith.index_cast %add3A_239 : i32 to index
      %get3A_323 = arith.constant 96 : index
      %get3A_324 = tpu.vector_load %arg7[%get3A_322, %get3A_323] {strides = array<i32>} : memref<64x128xf32, #tpu.memory_space<vmem>>, vector<1x16xf32>,
      %get3A_325 = vector.shape_cast %get3A_324 : vector<1x16xf32> to vector<16xf32>
      %get3A_326 = arith.index_cast %add3A_239 : i32 to index
      %get3A_327 = arith.constant 96 : index
      %get3A_328 = tpu.vector_load %arg12[%get3A_326, %get3A_327] {strides = array<i32>} : memref<128x128xf32, #tpu.memory_space<vmem>>, vector<1x16xf32>,
      %get3A_329 = vector.shape_cast %get3A_328 : vector<1x16xf32> to vector<16xf32>
      %mul3A_330 = arith.mulf %get3A_325, %get3A_329 : vector<16xf32>
      %swap3A_331 = arith.index_cast %add3A_239 : i32 to index
      %swap3A_332 = arith.constant 96 : index
      %swap3A_333 = tpu.vector_load %arg7[%swap3A_331, %swap3A_332] {strides = array<i32>} : memref<64x128xf32, #tpu.memory_space<vmem>>, vector<1x16xf32>,
      %swap3A_334 = vector.shape_cast %swap3A_333 : vector<1x16xf32> to vector<16xf32>
      %swap3A_335 = vector.shape_cast %mul3A_330 : vector<16xf32> to vector<1x16xf32>
      tpu.vector_store %arg7[%swap3A_331, %swap3A_332], %swap3A_335 {strides = array<i32>} : memref<64x128xf32, #tpu.memory_space<vmem>>, vector<1x16xf32>,
      %get3A_336 = arith.index_cast %add3A_239 : i32 to index
      %get3A_337 = arith.constant 112 : index
      %get3A_338 = tpu.vector_load %arg7[%get3A_336, %get3A_337] {strides = array<i32>} : memref<64x128xf32, #tpu.memory_space<vmem>>, vector<1x16xf32>,
      %get3A_339 = vector.shape_cast %get3A_338 : vector<1x16xf32> to vector<16xf32>
      %get3A_340 = arith.index_cast %add3A_239 : i32 to index
      %get3A_341 = arith.constant 112 : index
      %get3A_342 = tpu.vector_load %arg12[%get3A_340, %get3A_341] {strides = array<i32>} : memref<128x128xf32, #tpu.memory_space<vmem>>, vector<1x16xf32>,
      %get3A_343 = vector.shape_cast %get3A_342 : vector<1x16xf32> to vector<16xf32>
      %mul3A_344 = arith.mulf %get3A_339, %get3A_343 : vector<16xf32>
      %swap3A_345 = arith.index_cast %add3A_239 : i32 to index
      %swap3A_346 = arith.constant 112 : index
      %swap3A_347 = tpu.vector_load %arg7[%swap3A_345, %swap3A_346] {strides = array<i32>} : memref<64x128xf32, #tpu.memory_space<vmem>>, vector<1x16xf32>,
      %swap3A_348 = vector.shape_cast %swap3A_347 : vector<1x16xf32> to vector<16xf32>
      %swap3A_349 = vector.shape_cast %mul3A_344 : vector<16xf32> to vector<1x16xf32>
      tpu.vector_store %arg7[%swap3A_345, %swap3A_346], %swap3A_349 {strides = array<i32>} : memref<64x128xf32, #tpu.memory_space<vmem>>, vector<1x16xf32>,
    }
    %scan3A_68 = arith.constant 64 : i32
    %add3A_69 = arith.constant 0 : i32
    %add3A_70 = arith.addi %mul3A_2, %add3A_69 : i32
    %dma_start3A_71 = arith.constant 0 : i32
    %dma_start3A_72 = tpu.memref_slice %arg5[%add3A_70, %dma_start3A_71] : memref<16384x128xf32, #tpu.memory_space<hbm>> -> memref<64x128xf32, #tpu.memory_space<hbm>>
    %dma_start3A_73 = arith.constant 0 : i32
    %dma_start3A_74 = tpu.memref_slice %arg5[%add3A_70, %dma_start3A_73] : memref<16384x128xf32, #tpu.memory_space<hbm>> -> memref<64x128xf32, #tpu.memory_space<hbm>>
    tpu.enqueue_dma source(%arg7 : memref<64x128xf32, #tpu.memory_space<vmem>>) target(%dma_start3A_74 : memref<64x128xf32, #tpu.memory_space<hbm>>) target_semaphore(%arg21 : memref<!tpu.dma_semaphore, #tpu.memory_space<semaphore_mem>>)
    %add3A_75 = arith.constant 192 : i32
    %add3A_76 = arith.addi %mul3A_2, %add3A_75 : i32
    %dma_start3A_77 = arith.constant 0 : i32
    %dma_start3A_78 = arith.constant 0 : i32
    %dma_start3A_79 = tpu.memref_slice %arg12[%dma_start3A_77, %dma_start3A_78] : memref<128x128xf32, #tpu.memory_space<vmem>> -> memref<128x128xf32, #tpu.memory_space<vmem>>
    %dma_start3A_80 = arith.constant 0 : i32
    %dma_start3A_81 = tpu.memref_slice %arg2[%add3A_76, %dma_start3A_80] : memref<16384x128xf32, #tpu.memory_space<hbm>> -> memref<128x128xf32, #tpu.memory_space<hbm>>
    %dma_start3A_82 = arith.constant 0 : i32
    %dma_start3A_83 = arith.constant 0 : i32
    %dma_start3A_84 = tpu.memref_slice %arg12[%dma_start3A_82, %dma_start3A_83] : memref<128x128xf32, #tpu.memory_space<vmem>> -> memref<128x128xf32, #tpu.memory_space<vmem>>
    %dma_start3A_85 = arith.constant 0 : i32
    %dma_start3A_86 = tpu.memref_slice %arg2[%add3A_76, %dma_start3A_85] : memref<16384x128xf32, #tpu.memory_space<hbm>> -> memref<128x128xf32, #tpu.memory_space<hbm>>
    tpu.enqueue_dma source(%dma_start3A_86 : memref<128x128xf32, #tpu.memory_space<hbm>>) target(%dma_start3A_84 : memref<128x128xf32, #tpu.memory_space<vmem>>) target_semaphore(%arg19 : memref<!tpu.dma_semaphore, #tpu.memory_space<semaphore_mem>>)
    %dma_wait3A_87 = arith.constant 64 : i32
    %dma_wait3A_88 = tpu.memref_slice %arg6[%dma_wait3A_87] : memref<512xi32, #tpu.memory_space<vmem>> -> memref<128xi32, #tpu.memory_space<vmem>>
    %dma_wait3A_89 = arith.constant 0 : i32
    %dma_wait3A_90 = arith.constant 0 : i32
    %dma_wait3A_91 = tpu.memref_slice %arg4[%dma_wait3A_89, %dma_wait3A_90] : memref<100000x128xf32, #tpu.memory_space<hbm>> -> memref<100000x128xf32, #tpu.memory_space<hbm>>
    tpu.wait_indirect_dma semaphore(%arg15 : memref<!tpu.dma_semaphore, #tpu.memory_space<semaphore_mem>>) src(%dma_wait3A_91 : memref<100000x128xf32, #tpu.memory_space<hbm>>) dst(%arg8 : memref<128x128xf32, #tpu.memory_space<vmem>>)
    %dma_wait3A_92 = arith.constant 0 : i32
    %dma_wait3A_93 = arith.constant 0 : i32
    %dma_wait3A_94 = tpu.memref_slice %arg13[%dma_wait3A_92, %dma_wait3A_93] : memref<128x128xf32, #tpu.memory_space<vmem>> -> memref<128x128xf32, #tpu.memory_space<vmem>>
    %dma_wait3A_95 = arith.constant 0 : i32
    %dma_wait3A_96 = tpu.memref_slice %arg2[%add3A_15, %dma_wait3A_95] : memref<16384x128xf32, #tpu.memory_space<hbm>> -> memref<128x128xf32, #tpu.memory_space<hbm>>
    %dma_wait3A_97 = arith.constant 0 : i32
    %dma_wait3A_98 = arith.constant 0 : i32
    %dma_wait3A_99 = tpu.memref_slice %arg13[%dma_wait3A_97, %dma_wait3A_98] : memref<128x128xf32, #tpu.memory_space<vmem>> -> memref<128x128xf32, #tpu.memory_space<vmem>>
    %dma_wait3A_100 = arith.constant 0 : i32
    %dma_wait3A_101 = tpu.memref_slice %arg2[%add3A_15, %dma_wait3A_100] : memref<16384x128xf32, #tpu.memory_space<hbm>> -> memref<128x128xf32, #tpu.memory_space<hbm>>
    tpu.wait_dma2 semaphore(%arg20 : memref<!tpu.dma_semaphore, #tpu.memory_space<semaphore_mem>>) src(%dma_wait3A_101 : memref<128x128xf32, #tpu.memory_space<hbm>>) dst(%dma_wait3A_99 : memref<128x128xf32, #tpu.memory_space<vmem>>)
    %scan3A_102 = arith.constant 0 : i32
    %scan3A_103 = arith.constant 128 : i32
    %scan3A_104 = arith.addi %scan3A_102, %scan3A_103 : i32
    %scan3A_105 = arith.constant 1 : i32
    scf.for %scan3A_235 = %scan3A_102 to %scan3A_104 step %scan3A_105  : i32 {
      %mul3A_236 = arith.constant 1 : i32
      %mul3A_237 = arith.muli %scan3A_235, %mul3A_236 : i32
      %add3A_238 = arith.constant 0 : i32
      %add3A_239 = arith.addi %add3A_238, %mul3A_237 : i32
      %get3A = arith.index_cast %add3A_239 : i32 to index
      %get3A_240 = arith.constant 0 : index
      %get3A_241 = tpu.vector_load %arg8[%get3A, %get3A_240] {strides = array<i32>} : memref<128x128xf32, #tpu.memory_space<vmem>>, vector<1x16xf32>,
      %get3A_242 = vector.shape_cast %get3A_241 : vector<1x16xf32> to vector<16xf32>
      %get3A_243 = arith.index_cast %add3A_239 : i32 to index
      %get3A_244 = arith.constant 0 : index
      %get3A_245 = tpu.vector_load %arg13[%get3A_243, %get3A_244] {strides = array<i32>} : memref<128x128xf32, #tpu.memory_space<vmem>>, vector<1x16xf32>,
      %get3A_246 = vector.shape_cast %get3A_245 : vector<1x16xf32> to vector<16xf32>
      %mul3A_247 = arith.mulf %get3A_242, %get3A_246 : vector<16xf32>
      %swap3A = arith.index_cast %add3A_239 : i32 to index
      %swap3A_248 = arith.constant 0 : index
      %swap3A_249 = tpu.vector_load %arg8[%swap3A, %swap3A_248] {strides = array<i32>} : memref<128x128xf32, #tpu.memory_space<vmem>>, vector<1x16xf32>,
      %swap3A_250 = vector.shape_cast %swap3A_249 : vector<1x16xf32> to vector<16xf32>
      %swap3A_251 = vector.shape_cast %mul3A_247 : vector<16xf32> to vector<1x16xf32>
      tpu.vector_store %arg8[%swap3A, %swap3A_248], %swap3A_251 {strides = array<i32>} : memref<128x128xf32, #tpu.memory_space<vmem>>, vector<1x16xf32>,
      %get3A_252 = arith.index_cast %add3A_239 : i32 to index
      %get3A_253 = arith.constant 16 : index
      %get3A_254 = tpu.vector_load %arg8[%get3A_252, %get3A_253] {strides = array<i32>} : memref<128x128xf32, #tpu.memory_space<vmem>>, vector<1x16xf32>,
      %get3A_255 = vector.shape_cast %get3A_254 : vector<1x16xf32> to vector<16xf32>
      %get3A_256 = arith.index_cast %add3A_239 : i32 to index
      %get3A_257 = arith.constant 16 : index
      %get3A_258 = tpu.vector_load %arg13[%get3A_256, %get3A_257] {strides = array<i32>} : memref<128x128xf32, #tpu.memory_space<vmem>>, vector<1x16xf32>,
      %get3A_259 = vector.shape_cast %get3A_258 : vector<1x16xf32> to vector<16xf32>
      %mul3A_260 = arith.mulf %get3A_255, %get3A_259 : vector<16xf32>
      %swap3A_261 = arith.index_cast %add3A_239 : i32 to index
      %swap3A_262 = arith.constant 16 : index
      %swap3A_263 = tpu.vector_load %arg8[%swap3A_261, %swap3A_262] {strides = array<i32>} : memref<128x128xf32, #tpu.memory_space<vmem>>, vector<1x16xf32>,
      %swap3A_264 = vector.shape_cast %swap3A_263 : vector<1x16xf32> to vector<16xf32>
      %swap3A_265 = vector.shape_cast %mul3A_260 : vector<16xf32> to vector<1x16xf32>
      tpu.vector_store %arg8[%swap3A_261, %swap3A_262], %swap3A_265 {strides = array<i32>} : memref<128x128xf32, #tpu.memory_space<vmem>>, vector<1x16xf32>,
      %get3A_266 = arith.index_cast %add3A_239 : i32 to index
      %get3A_267 = arith.constant 32 : index
      %get3A_268 = tpu.vector_load %arg8[%get3A_266, %get3A_267] {strides = array<i32>} : memref<128x128xf32, #tpu.memory_space<vmem>>, vector<1x16xf32>,
      %get3A_269 = vector.shape_cast %get3A_268 : vector<1x16xf32> to vector<16xf32>
      %get3A_270 = arith.index_cast %add3A_239 : i32 to index
      %get3A_271 = arith.constant 32 : index
      %get3A_272 = tpu.vector_load %arg13[%get3A_270, %get3A_271] {strides = array<i32>} : memref<128x128xf32, #tpu.memory_space<vmem>>, vector<1x16xf32>,
      %get3A_273 = vector.shape_cast %get3A_272 : vector<1x16xf32> to vector<16xf32>
      %mul3A_274 = arith.mulf %get3A_269, %get3A_273 : vector<16xf32>
      %swap3A_275 = arith.index_cast %add3A_239 : i32 to index
      %swap3A_276 = arith.constant 32 : index
      %swap3A_277 = tpu.vector_load %arg8[%swap3A_275, %swap3A_276] {strides = array<i32>} : memref<128x128xf32, #tpu.memory_space<vmem>>, vector<1x16xf32>,
      %swap3A_278 = vector.shape_cast %swap3A_277 : vector<1x16xf32> to vector<16xf32>
      %swap3A_279 = vector.shape_cast %mul3A_274 : vector<16xf32> to vector<1x16xf32>
      tpu.vector_store %arg8[%swap3A_275, %swap3A_276], %swap3A_279 {strides = array<i32>} : memref<128x128xf32, #tpu.memory_space<vmem>>, vector<1x16xf32>,
      %get3A_280 = arith.index_cast %add3A_239 : i32 to index
      %get3A_281 = arith.constant 48 : index
      %get3A_282 = tpu.vector_load %arg8[%get3A_280, %get3A_281] {strides = array<i32>} : memref<128x128xf32, #tpu.memory_space<vmem>>, vector<1x16xf32>,
      %get3A_283 = vector.shape_cast %get3A_282 : vector<1x16xf32> to vector<16xf32>
      %get3A_284 = arith.index_cast %add3A_239 : i32 to index
      %get3A_285 = arith.constant 48 : index
      %get3A_286 = tpu.vector_load %arg13[%get3A_284, %get3A_285] {strides = array<i32>} : memref<128x128xf32, #tpu.memory_space<vmem>>, vector<1x16xf32>,
      %get3A_287 = vector.shape_cast %get3A_286 : vector<1x16xf32> to vector<16xf32>
      %mul3A_288 = arith.mulf %get3A_283, %get3A_287 : vector<16xf32>
      %swap3A_289 = arith.index_cast %add3A_239 : i32 to index
      %swap3A_290 = arith.constant 48 : index
      %swap3A_291 = tpu.vector_load %arg8[%swap3A_289, %swap3A_290] {strides = array<i32>} : memref<128x128xf32, #tpu.memory_space<vmem>>, vector<1x16xf32>,
      %swap3A_292 = vector.shape_cast %swap3A_291 : vector<1x16xf32> to vector<16xf32>
      %swap3A_293 = vector.shape_cast %mul3A_288 : vector<16xf32> to vector<1x16xf32>
      tpu.vector_store %arg8[%swap3A_289, %swap3A_290], %swap3A_293 {strides = array<i32>} : memref<128x128xf32, #tpu.memory_space<vmem>>, vector<1x16xf32>,
      %get3A_294 = arith.index_cast %add3A_239 : i32 to index
      %get3A_295 = arith.constant 64 : index
      %get3A_296 = tpu.vector_load %arg8[%get3A_294, %get3A_295] {strides = array<i32>} : memref<128x128xf32, #tpu.memory_space<vmem>>, vector<1x16xf32>,
      %get3A_297 = vector.shape_cast %get3A_296 : vector<1x16xf32> to vector<16xf32>
      %get3A_298 = arith.index_cast %add3A_239 : i32 to index
      %get3A_299 = arith.constant 64 : index
      %get3A_300 = tpu.vector_load %arg13[%get3A_298, %get3A_299] {strides = array<i32>} : memref<128x128xf32, #tpu.memory_space<vmem>>, vector<1x16xf32>,
      %get3A_301 = vector.shape_cast %get3A_300 : vector<1x16xf32> to vector<16xf32>
      %mul3A_302 = arith.mulf %get3A_297, %get3A_301 : vector<16xf32>
      %swap3A_303 = arith.index_cast %add3A_239 : i32 to index
      %swap3A_304 = arith.constant 64 : index
      %swap3A_305 = tpu.vector_load %arg8[%swap3A_303, %swap3A_304] {strides = array<i32>} : memref<128x128xf32, #tpu.memory_space<vmem>>, vector<1x16xf32>,
      %swap3A_306 = vector.shape_cast %swap3A_305 : vector<1x16xf32> to vector<16xf32>
      %swap3A_307 = vector.shape_cast %mul3A_302 : vector<16xf32> to vector<1x16xf32>
      tpu.vector_store %arg8[%swap3A_303, %swap3A_304], %swap3A_307 {strides = array<i32>} : memref<128x128xf32, #tpu.memory_space<vmem>>, vector<1x16xf32>,
      %get3A_308 = arith.index_cast %add3A_239 : i32 to index
      %get3A_309 = arith.constant 80 : index
      %get3A_310 = tpu.vector_load %arg8[%get3A_308, %get3A_309] {strides = array<i32>} : memref<128x128xf32, #tpu.memory_space<vmem>>, vector<1x16xf32>,
      %get3A_311 = vector.shape_cast %get3A_310 : vector<1x16xf32> to vector<16xf32>
      %get3A_312 = arith.index_cast %add3A_239 : i32 to index
      %get3A_313 = arith.constant 80 : index
      %get3A_314 = tpu.vector_load %arg13[%get3A_312, %get3A_313] {strides = array<i32>} : memref<128x128xf32, #tpu.memory_space<vmem>>, vector<1x16xf32>,
      %get3A_315 = vector.shape_cast %get3A_314 : vector<1x16xf32> to vector<16xf32>
      %mul3A_316 = arith.mulf %get3A_311, %get3A_315 : vector<16xf32>
      %swap3A_317 = arith.index_cast %add3A_239 : i32 to index
      %swap3A_318 = arith.constant 80 : index
      %swap3A_319 = tpu.vector_load %arg8[%swap3A_317, %swap3A_318] {strides = array<i32>} : memref<128x128xf32, #tpu.memory_space<vmem>>, vector<1x16xf32>,
      %swap3A_320 = vector.shape_cast %swap3A_319 : vector<1x16xf32> to vector<16xf32>
      %swap3A_321 = vector.shape_cast %mul3A_316 : vector<16xf32> to vector<1x16xf32>
      tpu.vector_store %arg8[%swap3A_317, %swap3A_318], %swap3A_321 {strides = array<i32>} : memref<128x128xf32, #tpu.memory_space<vmem>>, vector<1x16xf32>,
      %get3A_322 = arith.index_cast %add3A_239 : i32 to index
      %get3A_323 = arith.constant 96 : index
      %get3A_324 = tpu.vector_load %arg8[%get3A_322, %get3A_323] {strides = array<i32>} : memref<128x128xf32, #tpu.memory_space<vmem>>, vector<1x16xf32>,
      %get3A_325 = vector.shape_cast %get3A_324 : vector<1x16xf32> to vector<16xf32>
      %get3A_326 = arith.index_cast %add3A_239 : i32 to index
      %get3A_327 = arith.constant 96 : index
      %get3A_328 = tpu.vector_load %arg13[%get3A_326, %get3A_327] {strides = array<i32>} : memref<128x128xf32, #tpu.memory_space<vmem>>, vector<1x16xf32>,
      %get3A_329 = vector.shape_cast %get3A_328 : vector<1x16xf32> to vector<16xf32>
      %mul3A_330 = arith.mulf %get3A_325, %get3A_329 : vector<16xf32>
      %swap3A_331 = arith.index_cast %add3A_239 : i32 to index
      %swap3A_332 = arith.constant 96 : index
      %swap3A_333 = tpu.vector_load %arg8[%swap3A_331, %swap3A_332] {strides = array<i32>} : memref<128x128xf32, #tpu.memory_space<vmem>>, vector<1x16xf32>,
      %swap3A_334 = vector.shape_cast %swap3A_333 : vector<1x16xf32> to vector<16xf32>
      %swap3A_335 = vector.shape_cast %mul3A_330 : vector<16xf32> to vector<1x16xf32>
      tpu.vector_store %arg8[%swap3A_331, %swap3A_332], %swap3A_335 {strides = array<i32>} : memref<128x128xf32, #tpu.memory_space<vmem>>, vector<1x16xf32>,
      %get3A_336 = arith.index_cast %add3A_239 : i32 to index
      %get3A_337 = arith.constant 112 : index
      %get3A_338 = tpu.vector_load %arg8[%get3A_336, %get3A_337] {strides = array<i32>} : memref<128x128xf32, #tpu.memory_space<vmem>>, vector<1x16xf32>,
      %get3A_339 = vector.shape_cast %get3A_338 : vector<1x16xf32> to vector<16xf32>
      %get3A_340 = arith.index_cast %add3A_239 : i32 to index
      %get3A_341 = arith.constant 112 : index
      %get3A_342 = tpu.vector_load %arg13[%get3A_340, %get3A_341] {strides = array<i32>} : memref<128x128xf32, #tpu.memory_space<vmem>>, vector<1x16xf32>,
      %get3A_343 = vector.shape_cast %get3A_342 : vector<1x16xf32> to vector<16xf32>
      %mul3A_344 = arith.mulf %get3A_339, %get3A_343 : vector<16xf32>
      %swap3A_345 = arith.index_cast %add3A_239 : i32 to index
      %swap3A_346 = arith.constant 112 : index
      %swap3A_347 = tpu.vector_load %arg8[%swap3A_345, %swap3A_346] {strides = array<i32>} : memref<128x128xf32, #tpu.memory_space<vmem>>, vector<1x16xf32>,
      %swap3A_348 = vector.shape_cast %swap3A_347 : vector<1x16xf32> to vector<16xf32>
      %swap3A_349 = vector.shape_cast %mul3A_344 : vector<16xf32> to vector<1x16xf32>
      tpu.vector_store %arg8[%swap3A_345, %swap3A_346], %swap3A_349 {strides = array<i32>} : memref<128x128xf32, #tpu.memory_space<vmem>>, vector<1x16xf32>,
    }
    %scan3A_106 = arith.constant 128 : i32
    %add3A_107 = arith.constant 64 : i32
    %add3A_108 = arith.addi %mul3A_2, %add3A_107 : i32
    %dma_start3A_109 = arith.constant 0 : i32
    %dma_start3A_110 = tpu.memref_slice %arg5[%add3A_108, %dma_start3A_109] : memref<16384x128xf32, #tpu.memory_space<hbm>> -> memref<128x128xf32, #tpu.memory_space<hbm>>
    %dma_start3A_111 = arith.constant 0 : i32
    %dma_start3A_112 = tpu.memref_slice %arg5[%add3A_108, %dma_start3A_111] : memref<16384x128xf32, #tpu.memory_space<hbm>> -> memref<128x128xf32, #tpu.memory_space<hbm>>
    tpu.enqueue_dma source(%arg8 : memref<128x128xf32, #tpu.memory_space<vmem>>) target(%dma_start3A_112 : memref<128x128xf32, #tpu.memory_space<hbm>>) target_semaphore(%arg22 : memref<!tpu.dma_semaphore, #tpu.memory_space<semaphore_mem>>)
    %add3A_113 = arith.constant 320 : i32
    %add3A_114 = arith.addi %mul3A_2, %add3A_113 : i32
    %dma_start3A_115 = arith.constant 0 : i32
    %dma_start3A_116 = arith.constant 0 : i32
    %dma_start3A_117 = tpu.memref_slice %arg13[%dma_start3A_115, %dma_start3A_116] : memref<128x128xf32, #tpu.memory_space<vmem>> -> memref<128x128xf32, #tpu.memory_space<vmem>>
    %dma_start3A_118 = arith.constant 0 : i32
    %dma_start3A_119 = tpu.memref_slice %arg2[%add3A_114, %dma_start3A_118] : memref<16384x128xf32, #tpu.memory_space<hbm>> -> memref<128x128xf32, #tpu.memory_space<hbm>>
    %dma_start3A_120 = arith.constant 0 : i32
    %dma_start3A_121 = arith.constant 0 : i32
    %dma_start3A_122 = tpu.memref_slice %arg13[%dma_start3A_120, %dma_start3A_121] : memref<128x128xf32, #tpu.memory_space<vmem>> -> memref<128x128xf32, #tpu.memory_space<vmem>>
    %dma_start3A_123 = arith.constant 0 : i32
    %dma_start3A_124 = tpu.memref_slice %arg2[%add3A_114, %dma_start3A_123] : memref<16384x128xf32, #tpu.memory_space<hbm>> -> memref<128x128xf32, #tpu.memory_space<hbm>>
    tpu.enqueue_dma source(%dma_start3A_124 : memref<128x128xf32, #tpu.memory_space<hbm>>) target(%dma_start3A_122 : memref<128x128xf32, #tpu.memory_space<vmem>>) target_semaphore(%arg20 : memref<!tpu.dma_semaphore, #tpu.memory_space<semaphore_mem>>)
    %dma_wait3A_125 = arith.constant 192 : i32
    %dma_wait3A_126 = tpu.memref_slice %arg6[%dma_wait3A_125] : memref<512xi32, #tpu.memory_space<vmem>> -> memref<128xi32, #tpu.memory_space<vmem>>
    %dma_wait3A_127 = arith.constant 0 : i32
    %dma_wait3A_128 = arith.constant 0 : i32
    %dma_wait3A_129 = tpu.memref_slice %arg4[%dma_wait3A_127, %dma_wait3A_128] : memref<100000x128xf32, #tpu.memory_space<hbm>> -> memref<100000x128xf32, #tpu.memory_space<hbm>>
    tpu.wait_indirect_dma semaphore(%arg16 : memref<!tpu.dma_semaphore, #tpu.memory_space<semaphore_mem>>) src(%dma_wait3A_129 : memref<100000x128xf32, #tpu.memory_space<hbm>>) dst(%arg9 : memref<128x128xf32, #tpu.memory_space<vmem>>)
    %dma_wait3A_130 = arith.constant 0 : i32
    %dma_wait3A_131 = arith.constant 0 : i32
    %dma_wait3A_132 = tpu.memref_slice %arg12[%dma_wait3A_130, %dma_wait3A_131] : memref<128x128xf32, #tpu.memory_space<vmem>> -> memref<128x128xf32, #tpu.memory_space<vmem>>
    %dma_wait3A_133 = arith.constant 0 : i32
    %dma_wait3A_134 = tpu.memref_slice %arg2[%add3A_76, %dma_wait3A_133] : memref<16384x128xf32, #tpu.memory_space<hbm>> -> memref<128x128xf32, #tpu.memory_space<hbm>>
    %dma_wait3A_135 = arith.constant 0 : i32
    %dma_wait3A_136 = arith.constant 0 : i32
    %dma_wait3A_137 = tpu.memref_slice %arg12[%dma_wait3A_135, %dma_wait3A_136] : memref<128x128xf32, #tpu.memory_space<vmem>> -> memref<128x128xf32, #tpu.memory_space<vmem>>
    %dma_wait3A_138 = arith.constant 0 : i32
    %dma_wait3A_139 = tpu.memref_slice %arg2[%add3A_76, %dma_wait3A_138] : memref<16384x128xf32, #tpu.memory_space<hbm>> -> memref<128x128xf32, #tpu.memory_space<hbm>>
    tpu.wait_dma2 semaphore(%arg19 : memref<!tpu.dma_semaphore, #tpu.memory_space<semaphore_mem>>) src(%dma_wait3A_139 : memref<128x128xf32, #tpu.memory_space<hbm>>) dst(%dma_wait3A_137 : memref<128x128xf32, #tpu.memory_space<vmem>>)
    %scan3A_140 = arith.constant 0 : i32
    %scan3A_141 = arith.constant 128 : i32
    %scan3A_142 = arith.addi %scan3A_140, %scan3A_141 : i32
    %scan3A_143 = arith.constant 1 : i32
    scf.for %scan3A_235 = %scan3A_140 to %scan3A_142 step %scan3A_143  : i32 {
      %mul3A_236 = arith.constant 1 : i32
      %mul3A_237 = arith.muli %scan3A_235, %mul3A_236 : i32
      %add3A_238 = arith.constant 0 : i32
      %add3A_239 = arith.addi %add3A_238, %mul3A_237 : i32
      %get3A = arith.index_cast %add3A_239 : i32 to index
      %get3A_240 = arith.constant 0 : index
      %get3A_241 = tpu.vector_load %arg9[%get3A, %get3A_240] {strides = array<i32>} : memref<128x128xf32, #tpu.memory_space<vmem>>, vector<1x16xf32>,
      %get3A_242 = vector.shape_cast %get3A_241 : vector<1x16xf32> to vector<16xf32>
      %get3A_243 = arith.index_cast %add3A_239 : i32 to index
      %get3A_244 = arith.constant 0 : index
      %get3A_245 = tpu.vector_load %arg12[%get3A_243, %get3A_244] {strides = array<i32>} : memref<128x128xf32, #tpu.memory_space<vmem>>, vector<1x16xf32>,
      %get3A_246 = vector.shape_cast %get3A_245 : vector<1x16xf32> to vector<16xf32>
      %mul3A_247 = arith.mulf %get3A_242, %get3A_246 : vector<16xf32>
      %swap3A = arith.index_cast %add3A_239 : i32 to index
      %swap3A_248 = arith.constant 0 : index
      %swap3A_249 = tpu.vector_load %arg9[%swap3A, %swap3A_248] {strides = array<i32>} : memref<128x128xf32, #tpu.memory_space<vmem>>, vector<1x16xf32>,
      %swap3A_250 = vector.shape_cast %swap3A_249 : vector<1x16xf32> to vector<16xf32>
      %swap3A_251 = vector.shape_cast %mul3A_247 : vector<16xf32> to vector<1x16xf32>
      tpu.vector_store %arg9[%swap3A, %swap3A_248], %swap3A_251 {strides = array<i32>} : memref<128x128xf32, #tpu.memory_space<vmem>>, vector<1x16xf32>,
      %get3A_252 = arith.index_cast %add3A_239 : i32 to index
      %get3A_253 = arith.constant 16 : index
      %get3A_254 = tpu.vector_load %arg9[%get3A_252, %get3A_253] {strides = array<i32>} : memref<128x128xf32, #tpu.memory_space<vmem>>, vector<1x16xf32>,
      %get3A_255 = vector.shape_cast %get3A_254 : vector<1x16xf32> to vector<16xf32>
      %get3A_256 = arith.index_cast %add3A_239 : i32 to index
      %get3A_257 = arith.constant 16 : index
      %get3A_258 = tpu.vector_load %arg12[%get3A_256, %get3A_257] {strides = array<i32>} : memref<128x128xf32, #tpu.memory_space<vmem>>, vector<1x16xf32>,
      %get3A_259 = vector.shape_cast %get3A_258 : vector<1x16xf32> to vector<16xf32>
      %mul3A_260 = arith.mulf %get3A_255, %get3A_259 : vector<16xf32>
      %swap3A_261 = arith.index_cast %add3A_239 : i32 to index
      %swap3A_262 = arith.constant 16 : index
      %swap3A_263 = tpu.vector_load %arg9[%swap3A_261, %swap3A_262] {strides = array<i32>} : memref<128x128xf32, #tpu.memory_space<vmem>>, vector<1x16xf32>,
      %swap3A_264 = vector.shape_cast %swap3A_263 : vector<1x16xf32> to vector<16xf32>
      %swap3A_265 = vector.shape_cast %mul3A_260 : vector<16xf32> to vector<1x16xf32>
      tpu.vector_store %arg9[%swap3A_261, %swap3A_262], %swap3A_265 {strides = array<i32>} : memref<128x128xf32, #tpu.memory_space<vmem>>, vector<1x16xf32>,
      %get3A_266 = arith.index_cast %add3A_239 : i32 to index
      %get3A_267 = arith.constant 32 : index
      %get3A_268 = tpu.vector_load %arg9[%get3A_266, %get3A_267] {strides = array<i32>} : memref<128x128xf32, #tpu.memory_space<vmem>>, vector<1x16xf32>,
      %get3A_269 = vector.shape_cast %get3A_268 : vector<1x16xf32> to vector<16xf32>
      %get3A_270 = arith.index_cast %add3A_239 : i32 to index
      %get3A_271 = arith.constant 32 : index
      %get3A_272 = tpu.vector_load %arg12[%get3A_270, %get3A_271] {strides = array<i32>} : memref<128x128xf32, #tpu.memory_space<vmem>>, vector<1x16xf32>,
      %get3A_273 = vector.shape_cast %get3A_272 : vector<1x16xf32> to vector<16xf32>
      %mul3A_274 = arith.mulf %get3A_269, %get3A_273 : vector<16xf32>
      %swap3A_275 = arith.index_cast %add3A_239 : i32 to index
      %swap3A_276 = arith.constant 32 : index
      %swap3A_277 = tpu.vector_load %arg9[%swap3A_275, %swap3A_276] {strides = array<i32>} : memref<128x128xf32, #tpu.memory_space<vmem>>, vector<1x16xf32>,
      %swap3A_278 = vector.shape_cast %swap3A_277 : vector<1x16xf32> to vector<16xf32>
      %swap3A_279 = vector.shape_cast %mul3A_274 : vector<16xf32> to vector<1x16xf32>
      tpu.vector_store %arg9[%swap3A_275, %swap3A_276], %swap3A_279 {strides = array<i32>} : memref<128x128xf32, #tpu.memory_space<vmem>>, vector<1x16xf32>,
      %get3A_280 = arith.index_cast %add3A_239 : i32 to index
      %get3A_281 = arith.constant 48 : index
      %get3A_282 = tpu.vector_load %arg9[%get3A_280, %get3A_281] {strides = array<i32>} : memref<128x128xf32, #tpu.memory_space<vmem>>, vector<1x16xf32>,
      %get3A_283 = vector.shape_cast %get3A_282 : vector<1x16xf32> to vector<16xf32>
      %get3A_284 = arith.index_cast %add3A_239 : i32 to index
      %get3A_285 = arith.constant 48 : index
      %get3A_286 = tpu.vector_load %arg12[%get3A_284, %get3A_285] {strides = array<i32>} : memref<128x128xf32, #tpu.memory_space<vmem>>, vector<1x16xf32>,
      %get3A_287 = vector.shape_cast %get3A_286 : vector<1x16xf32> to vector<16xf32>
      %mul3A_288 = arith.mulf %get3A_283, %get3A_287 : vector<16xf32>
      %swap3A_289 = arith.index_cast %add3A_239 : i32 to index
      %swap3A_290 = arith.constant 48 : index
      %swap3A_291 = tpu.vector_load %arg9[%swap3A_289, %swap3A_290] {strides = array<i32>} : memref<128x128xf32, #tpu.memory_space<vmem>>, vector<1x16xf32>,
      %swap3A_292 = vector.shape_cast %swap3A_291 : vector<1x16xf32> to vector<16xf32>
      %swap3A_293 = vector.shape_cast %mul3A_288 : vector<16xf32> to vector<1x16xf32>
      tpu.vector_store %arg9[%swap3A_289, %swap3A_290], %swap3A_293 {strides = array<i32>} : memref<128x128xf32, #tpu.memory_space<vmem>>, vector<1x16xf32>,
      %get3A_294 = arith.index_cast %add3A_239 : i32 to index
      %get3A_295 = arith.constant 64 : index
      %get3A_296 = tpu.vector_load %arg9[%get3A_294, %get3A_295] {strides = array<i32>} : memref<128x128xf32, #tpu.memory_space<vmem>>, vector<1x16xf32>,
      %get3A_297 = vector.shape_cast %get3A_296 : vector<1x16xf32> to vector<16xf32>
      %get3A_298 = arith.index_cast %add3A_239 : i32 to index
      %get3A_299 = arith.constant 64 : index
      %get3A_300 = tpu.vector_load %arg12[%get3A_298, %get3A_299] {strides = array<i32>} : memref<128x128xf32, #tpu.memory_space<vmem>>, vector<1x16xf32>,
      %get3A_301 = vector.shape_cast %get3A_300 : vector<1x16xf32> to vector<16xf32>
      %mul3A_302 = arith.mulf %get3A_297, %get3A_301 : vector<16xf32>
      %swap3A_303 = arith.index_cast %add3A_239 : i32 to index
      %swap3A_304 = arith.constant 64 : index
      %swap3A_305 = tpu.vector_load %arg9[%swap3A_303, %swap3A_304] {strides = array<i32>} : memref<128x128xf32, #tpu.memory_space<vmem>>, vector<1x16xf32>,
      %swap3A_306 = vector.shape_cast %swap3A_305 : vector<1x16xf32> to vector<16xf32>
      %swap3A_307 = vector.shape_cast %mul3A_302 : vector<16xf32> to vector<1x16xf32>
      tpu.vector_store %arg9[%swap3A_303, %swap3A_304], %swap3A_307 {strides = array<i32>} : memref<128x128xf32, #tpu.memory_space<vmem>>, vector<1x16xf32>,
      %get3A_308 = arith.index_cast %add3A_239 : i32 to index
      %get3A_309 = arith.constant 80 : index
      %get3A_310 = tpu.vector_load %arg9[%get3A_308, %get3A_309] {strides = array<i32>} : memref<128x128xf32, #tpu.memory_space<vmem>>, vector<1x16xf32>,
      %get3A_311 = vector.shape_cast %get3A_310 : vector<1x16xf32> to vector<16xf32>
      %get3A_312 = arith.index_cast %add3A_239 : i32 to index
      %get3A_313 = arith.constant 80 : index
      %get3A_314 = tpu.vector_load %arg12[%get3A_312, %get3A_313] {strides = array<i32>} : memref<128x128xf32, #tpu.memory_space<vmem>>, vector<1x16xf32>,
      %get3A_315 = vector.shape_cast %get3A_314 : vector<1x16xf32> to vector<16xf32>
      %mul3A_316 = arith.mulf %get3A_311, %get3A_315 : vector<16xf32>
      %swap3A_317 = arith.index_cast %add3A_239 : i32 to index
      %swap3A_318 = arith.constant 80 : index
      %swap3A_319 = tpu.vector_load %arg9[%swap3A_317, %swap3A_318] {strides = array<i32>} : memref<128x128xf32, #tpu.memory_space<vmem>>, vector<1x16xf32>,
      %swap3A_320 = vector.shape_cast %swap3A_319 : vector<1x16xf32> to vector<16xf32>
      %swap3A_321 = vector.shape_cast %mul3A_316 : vector<16xf32> to vector<1x16xf32>
      tpu.vector_store %arg9[%swap3A_317, %swap3A_318], %swap3A_321 {strides = array<i32>} : memref<128x128xf32, #tpu.memory_space<vmem>>, vector<1x16xf32>,
      %get3A_322 = arith.index_cast %add3A_239 : i32 to index
      %get3A_323 = arith.constant 96 : index
      %get3A_324 = tpu.vector_load %arg9[%get3A_322, %get3A_323] {strides = array<i32>} : memref<128x128xf32, #tpu.memory_space<vmem>>, vector<1x16xf32>,
      %get3A_325 = vector.shape_cast %get3A_324 : vector<1x16xf32> to vector<16xf32>
      %get3A_326 = arith.index_cast %add3A_239 : i32 to index
      %get3A_327 = arith.constant 96 : index
      %get3A_328 = tpu.vector_load %arg12[%get3A_326, %get3A_327] {strides = array<i32>} : memref<128x128xf32, #tpu.memory_space<vmem>>, vector<1x16xf32>,
      %get3A_329 = vector.shape_cast %get3A_328 : vector<1x16xf32> to vector<16xf32>
      %mul3A_330 = arith.mulf %get3A_325, %get3A_329 : vector<16xf32>
      %swap3A_331 = arith.index_cast %add3A_239 : i32 to index
      %swap3A_332 = arith.constant 96 : index
      %swap3A_333 = tpu.vector_load %arg9[%swap3A_331, %swap3A_332] {strides = array<i32>} : memref<128x128xf32, #tpu.memory_space<vmem>>, vector<1x16xf32>,
      %swap3A_334 = vector.shape_cast %swap3A_333 : vector<1x16xf32> to vector<16xf32>
      %swap3A_335 = vector.shape_cast %mul3A_330 : vector<16xf32> to vector<1x16xf32>
      tpu.vector_store %arg9[%swap3A_331, %swap3A_332], %swap3A_335 {strides = array<i32>} : memref<128x128xf32, #tpu.memory_space<vmem>>, vector<1x16xf32>,
      %get3A_336 = arith.index_cast %add3A_239 : i32 to index
      %get3A_337 = arith.constant 112 : index
      %get3A_338 = tpu.vector_load %arg9[%get3A_336, %get3A_337] {strides = array<i32>} : memref<128x128xf32, #tpu.memory_space<vmem>>, vector<1x16xf32>,
      %get3A_339 = vector.shape_cast %get3A_338 : vector<1x16xf32> to vector<16xf32>
      %get3A_340 = arith.index_cast %add3A_239 : i32 to index
      %get3A_341 = arith.constant 112 : index
      %get3A_342 = tpu.vector_load %arg12[%get3A_340, %get3A_341] {strides = array<i32>} : memref<128x128xf32, #tpu.memory_space<vmem>>, vector<1x16xf32>,
      %get3A_343 = vector.shape_cast %get3A_342 : vector<1x16xf32> to vector<16xf32>
      %mul3A_344 = arith.mulf %get3A_339, %get3A_343 : vector<16xf32>
      %swap3A_345 = arith.index_cast %add3A_239 : i32 to index
      %swap3A_346 = arith.constant 112 : index
      %swap3A_347 = tpu.vector_load %arg9[%swap3A_345, %swap3A_346] {strides = array<i32>} : memref<128x128xf32, #tpu.memory_space<vmem>>, vector<1x16xf32>,
      %swap3A_348 = vector.shape_cast %swap3A_347 : vector<1x16xf32> to vector<16xf32>
      %swap3A_349 = vector.shape_cast %mul3A_344 : vector<16xf32> to vector<1x16xf32>
      tpu.vector_store %arg9[%swap3A_345, %swap3A_346], %swap3A_349 {strides = array<i32>} : memref<128x128xf32, #tpu.memory_space<vmem>>, vector<1x16xf32>,
    }
    %scan3A_144 = arith.constant 128 : i32
    %add3A_145 = arith.constant 192 : i32
    %add3A_146 = arith.addi %mul3A_2, %add3A_145 : i32
    %dma_start3A_147 = arith.constant 0 : i32
    %dma_start3A_148 = tpu.memref_slice %arg5[%add3A_146, %dma_start3A_147] : memref<16384x128xf32, #tpu.memory_space<hbm>> -> memref<128x128xf32, #tpu.memory_space<hbm>>
    %dma_start3A_149 = arith.constant 0 : i32
    %dma_start3A_150 = tpu.memref_slice %arg5[%add3A_146, %dma_start3A_149] : memref<16384x128xf32, #tpu.memory_space<hbm>> -> memref<128x128xf32, #tpu.memory_space<hbm>>
    tpu.enqueue_dma source(%arg9 : memref<128x128xf32, #tpu.memory_space<vmem>>) target(%dma_start3A_150 : memref<128x128xf32, #tpu.memory_space<hbm>>) target_semaphore(%arg21 : memref<!tpu.dma_semaphore, #tpu.memory_space<semaphore_mem>>)
    %add3A_151 = arith.constant 448 : i32
    %add3A_152 = arith.addi %mul3A_2, %add3A_151 : i32
    %dma_start3A_153 = arith.constant 0 : i32
    %dma_start3A_154 = arith.constant 0 : i32
    %dma_start3A_155 = tpu.memref_slice %arg12[%dma_start3A_153, %dma_start3A_154] : memref<128x128xf32, #tpu.memory_space<vmem>> -> memref<64x128xf32, #tpu.memory_space<vmem>>
    %dma_start3A_156 = arith.constant 0 : i32
    %dma_start3A_157 = tpu.memref_slice %arg2[%add3A_152, %dma_start3A_156] : memref<16384x128xf32, #tpu.memory_space<hbm>> -> memref<64x128xf32, #tpu.memory_space<hbm>>
    %dma_start3A_158 = arith.constant 0 : i32
    %dma_start3A_159 = arith.constant 0 : i32
    %dma_start3A_160 = tpu.memref_slice %arg12[%dma_start3A_158, %dma_start3A_159] : memref<128x128xf32, #tpu.memory_space<vmem>> -> memref<64x128xf32, #tpu.memory_space<vmem>>
    %dma_start3A_161 = arith.constant 0 : i32
    %dma_start3A_162 = tpu.memref_slice %arg2[%add3A_152, %dma_start3A_161] : memref<16384x128xf32, #tpu.memory_space<hbm>> -> memref<64x128xf32, #tpu.memory_space<hbm>>
    tpu.enqueue_dma source(%dma_start3A_162 : memref<64x128xf32, #tpu.memory_space<hbm>>) target(%dma_start3A_160 : memref<64x128xf32, #tpu.memory_space<vmem>>) target_semaphore(%arg19 : memref<!tpu.dma_semaphore, #tpu.memory_space<semaphore_mem>>)
    %dma_wait3A_163 = arith.constant 320 : i32
    %dma_wait3A_164 = tpu.memref_slice %arg6[%dma_wait3A_163] : memref<512xi32, #tpu.memory_space<vmem>> -> memref<128xi32, #tpu.memory_space<vmem>>
    %dma_wait3A_165 = arith.constant 0 : i32
    %dma_wait3A_166 = arith.constant 0 : i32
    %dma_wait3A_167 = tpu.memref_slice %arg4[%dma_wait3A_165, %dma_wait3A_166] : memref<100000x128xf32, #tpu.memory_space<hbm>> -> memref<100000x128xf32, #tpu.memory_space<hbm>>
    tpu.wait_indirect_dma semaphore(%arg17 : memref<!tpu.dma_semaphore, #tpu.memory_space<semaphore_mem>>) src(%dma_wait3A_167 : memref<100000x128xf32, #tpu.memory_space<hbm>>) dst(%arg10 : memref<128x128xf32, #tpu.memory_space<vmem>>)
    %dma_wait3A_168 = arith.constant 0 : i32
    %dma_wait3A_169 = arith.constant 0 : i32
    %dma_wait3A_170 = tpu.memref_slice %arg13[%dma_wait3A_168, %dma_wait3A_169] : memref<128x128xf32, #tpu.memory_space<vmem>> -> memref<128x128xf32, #tpu.memory_space<vmem>>
    %dma_wait3A_171 = arith.constant 0 : i32
    %dma_wait3A_172 = tpu.memref_slice %arg2[%add3A_114, %dma_wait3A_171] : memref<16384x128xf32, #tpu.memory_space<hbm>> -> memref<128x128xf32, #tpu.memory_space<hbm>>
    %dma_wait3A_173 = arith.constant 0 : i32
    %dma_wait3A_174 = arith.constant 0 : i32
    %dma_wait3A_175 = tpu.memref_slice %arg13[%dma_wait3A_173, %dma_wait3A_174] : memref<128x128xf32, #tpu.memory_space<vmem>> -> memref<128x128xf32, #tpu.memory_space<vmem>>
    %dma_wait3A_176 = arith.constant 0 : i32
    %dma_wait3A_177 = tpu.memref_slice %arg2[%add3A_114, %dma_wait3A_176] : memref<16384x128xf32, #tpu.memory_space<hbm>> -> memref<128x128xf32, #tpu.memory_space<hbm>>
    tpu.wait_dma2 semaphore(%arg20 : memref<!tpu.dma_semaphore, #tpu.memory_space<semaphore_mem>>) src(%dma_wait3A_177 : memref<128x128xf32, #tpu.memory_space<hbm>>) dst(%dma_wait3A_175 : memref<128x128xf32, #tpu.memory_space<vmem>>)
    %scan3A_178 = arith.constant 0 : i32
    %scan3A_179 = arith.constant 128 : i32
    %scan3A_180 = arith.addi %scan3A_178, %scan3A_179 : i32
    %scan3A_181 = arith.constant 1 : i32
    scf.for %scan3A_235 = %scan3A_178 to %scan3A_180 step %scan3A_181  : i32 {
      %mul3A_236 = arith.constant 1 : i32
      %mul3A_237 = arith.muli %scan3A_235, %mul3A_236 : i32
      %add3A_238 = arith.constant 0 : i32
      %add3A_239 = arith.addi %add3A_238, %mul3A_237 : i32
      %get3A = arith.index_cast %add3A_239 : i32 to index
      %get3A_240 = arith.constant 0 : index
      %get3A_241 = tpu.vector_load %arg10[%get3A, %get3A_240] {strides = array<i32>} : memref<128x128xf32, #tpu.memory_space<vmem>>, vector<1x16xf32>,
      %get3A_242 = vector.shape_cast %get3A_241 : vector<1x16xf32> to vector<16xf32>
      %get3A_243 = arith.index_cast %add3A_239 : i32 to index
      %get3A_244 = arith.constant 0 : index
      %get3A_245 = tpu.vector_load %arg13[%get3A_243, %get3A_244] {strides = array<i32>} : memref<128x128xf32, #tpu.memory_space<vmem>>, vector<1x16xf32>,
      %get3A_246 = vector.shape_cast %get3A_245 : vector<1x16xf32> to vector<16xf32>
      %mul3A_247 = arith.mulf %get3A_242, %get3A_246 : vector<16xf32>
      %swap3A = arith.index_cast %add3A_239 : i32 to index
      %swap3A_248 = arith.constant 0 : index
      %swap3A_249 = tpu.vector_load %arg10[%swap3A, %swap3A_248] {strides = array<i32>} : memref<128x128xf32, #tpu.memory_space<vmem>>, vector<1x16xf32>,
      %swap3A_250 = vector.shape_cast %swap3A_249 : vector<1x16xf32> to vector<16xf32>
      %swap3A_251 = vector.shape_cast %mul3A_247 : vector<16xf32> to vector<1x16xf32>
      tpu.vector_store %arg10[%swap3A, %swap3A_248], %swap3A_251 {strides = array<i32>} : memref<128x128xf32, #tpu.memory_space<vmem>>, vector<1x16xf32>,
      %get3A_252 = arith.index_cast %add3A_239 : i32 to index
      %get3A_253 = arith.constant 16 : index
      %get3A_254 = tpu.vector_load %arg10[%get3A_252, %get3A_253] {strides = array<i32>} : memref<128x128xf32, #tpu.memory_space<vmem>>, vector<1x16xf32>,
      %get3A_255 = vector.shape_cast %get3A_254 : vector<1x16xf32> to vector<16xf32>
      %get3A_256 = arith.index_cast %add3A_239 : i32 to index
      %get3A_257 = arith.constant 16 : index
      %get3A_258 = tpu.vector_load %arg13[%get3A_256, %get3A_257] {strides = array<i32>} : memref<128x128xf32, #tpu.memory_space<vmem>>, vector<1x16xf32>,
      %get3A_259 = vector.shape_cast %get3A_258 : vector<1x16xf32> to vector<16xf32>
      %mul3A_260 = arith.mulf %get3A_255, %get3A_259 : vector<16xf32>
      %swap3A_261 = arith.index_cast %add3A_239 : i32 to index
      %swap3A_262 = arith.constant 16 : index
      %swap3A_263 = tpu.vector_load %arg10[%swap3A_261, %swap3A_262] {strides = array<i32>} : memref<128x128xf32, #tpu.memory_space<vmem>>, vector<1x16xf32>,
      %swap3A_264 = vector.shape_cast %swap3A_263 : vector<1x16xf32> to vector<16xf32>
      %swap3A_265 = vector.shape_cast %mul3A_260 : vector<16xf32> to vector<1x16xf32>
      tpu.vector_store %arg10[%swap3A_261, %swap3A_262], %swap3A_265 {strides = array<i32>} : memref<128x128xf32, #tpu.memory_space<vmem>>, vector<1x16xf32>,
      %get3A_266 = arith.index_cast %add3A_239 : i32 to index
      %get3A_267 = arith.constant 32 : index
      %get3A_268 = tpu.vector_load %arg10[%get3A_266, %get3A_267] {strides = array<i32>} : memref<128x128xf32, #tpu.memory_space<vmem>>, vector<1x16xf32>,
      %get3A_269 = vector.shape_cast %get3A_268 : vector<1x16xf32> to vector<16xf32>
      %get3A_270 = arith.index_cast %add3A_239 : i32 to index
      %get3A_271 = arith.constant 32 : index
      %get3A_272 = tpu.vector_load %arg13[%get3A_270, %get3A_271] {strides = array<i32>} : memref<128x128xf32, #tpu.memory_space<vmem>>, vector<1x16xf32>,
      %get3A_273 = vector.shape_cast %get3A_272 : vector<1x16xf32> to vector<16xf32>
      %mul3A_274 = arith.mulf %get3A_269, %get3A_273 : vector<16xf32>
      %swap3A_275 = arith.index_cast %add3A_239 : i32 to index
      %swap3A_276 = arith.constant 32 : index
      %swap3A_277 = tpu.vector_load %arg10[%swap3A_275, %swap3A_276] {strides = array<i32>} : memref<128x128xf32, #tpu.memory_space<vmem>>, vector<1x16xf32>,
      %swap3A_278 = vector.shape_cast %swap3A_277 : vector<1x16xf32> to vector<16xf32>
      %swap3A_279 = vector.shape_cast %mul3A_274 : vector<16xf32> to vector<1x16xf32>
      tpu.vector_store %arg10[%swap3A_275, %swap3A_276], %swap3A_279 {strides = array<i32>} : memref<128x128xf32, #tpu.memory_space<vmem>>, vector<1x16xf32>,
      %get3A_280 = arith.index_cast %add3A_239 : i32 to index
      %get3A_281 = arith.constant 48 : index
      %get3A_282 = tpu.vector_load %arg10[%get3A_280, %get3A_281] {strides = array<i32>} : memref<128x128xf32, #tpu.memory_space<vmem>>, vector<1x16xf32>,
      %get3A_283 = vector.shape_cast %get3A_282 : vector<1x16xf32> to vector<16xf32>
      %get3A_284 = arith.index_cast %add3A_239 : i32 to index
      %get3A_285 = arith.constant 48 : index
      %get3A_286 = tpu.vector_load %arg13[%get3A_284, %get3A_285] {strides = array<i32>} : memref<128x128xf32, #tpu.memory_space<vmem>>, vector<1x16xf32>,
      %get3A_287 = vector.shape_cast %get3A_286 : vector<1x16xf32> to vector<16xf32>
      %mul3A_288 = arith.mulf %get3A_283, %get3A_287 : vector<16xf32>
      %swap3A_289 = arith.index_cast %add3A_239 : i32 to index
      %swap3A_290 = arith.constant 48 : index
      %swap3A_291 = tpu.vector_load %arg10[%swap3A_289, %swap3A_290] {strides = array<i32>} : memref<128x128xf32, #tpu.memory_space<vmem>>, vector<1x16xf32>,
      %swap3A_292 = vector.shape_cast %swap3A_291 : vector<1x16xf32> to vector<16xf32>
      %swap3A_293 = vector.shape_cast %mul3A_288 : vector<16xf32> to vector<1x16xf32>
      tpu.vector_store %arg10[%swap3A_289, %swap3A_290], %swap3A_293 {strides = array<i32>} : memref<128x128xf32, #tpu.memory_space<vmem>>, vector<1x16xf32>,
      %get3A_294 = arith.index_cast %add3A_239 : i32 to index
      %get3A_295 = arith.constant 64 : index
      %get3A_296 = tpu.vector_load %arg10[%get3A_294, %get3A_295] {strides = array<i32>} : memref<128x128xf32, #tpu.memory_space<vmem>>, vector<1x16xf32>,
      %get3A_297 = vector.shape_cast %get3A_296 : vector<1x16xf32> to vector<16xf32>
      %get3A_298 = arith.index_cast %add3A_239 : i32 to index
      %get3A_299 = arith.constant 64 : index
      %get3A_300 = tpu.vector_load %arg13[%get3A_298, %get3A_299] {strides = array<i32>} : memref<128x128xf32, #tpu.memory_space<vmem>>, vector<1x16xf32>,
      %get3A_301 = vector.shape_cast %get3A_300 : vector<1x16xf32> to vector<16xf32>
      %mul3A_302 = arith.mulf %get3A_297, %get3A_301 : vector<16xf32>
      %swap3A_303 = arith.index_cast %add3A_239 : i32 to index
      %swap3A_304 = arith.constant 64 : index
      %swap3A_305 = tpu.vector_load %arg10[%swap3A_303, %swap3A_304] {strides = array<i32>} : memref<128x128xf32, #tpu.memory_space<vmem>>, vector<1x16xf32>,
      %swap3A_306 = vector.shape_cast %swap3A_305 : vector<1x16xf32> to vector<16xf32>
      %swap3A_307 = vector.shape_cast %mul3A_302 : vector<16xf32> to vector<1x16xf32>
      tpu.vector_store %arg10[%swap3A_303, %swap3A_304], %swap3A_307 {strides = array<i32>} : memref<128x128xf32, #tpu.memory_space<vmem>>, vector<1x16xf32>,
      %get3A_308 = arith.index_cast %add3A_239 : i32 to index
      %get3A_309 = arith.constant 80 : index
      %get3A_310 = tpu.vector_load %arg10[%get3A_308, %get3A_309] {strides = array<i32>} : memref<128x128xf32, #tpu.memory_space<vmem>>, vector<1x16xf32>,
      %get3A_311 = vector.shape_cast %get3A_310 : vector<1x16xf32> to vector<16xf32>
      %get3A_312 = arith.index_cast %add3A_239 : i32 to index
      %get3A_313 = arith.constant 80 : index
      %get3A_314 = tpu.vector_load %arg13[%get3A_312, %get3A_313] {strides = array<i32>} : memref<128x128xf32, #tpu.memory_space<vmem>>, vector<1x16xf32>,
      %get3A_315 = vector.shape_cast %get3A_314 : vector<1x16xf32> to vector<16xf32>
      %mul3A_316 = arith.mulf %get3A_311, %get3A_315 : vector<16xf32>
      %swap3A_317 = arith.index_cast %add3A_239 : i32 to index
      %swap3A_318 = arith.constant 80 : index
      %swap3A_319 = tpu.vector_load %arg10[%swap3A_317, %swap3A_318] {strides = array<i32>} : memref<128x128xf32, #tpu.memory_space<vmem>>, vector<1x16xf32>,
      %swap3A_320 = vector.shape_cast %swap3A_319 : vector<1x16xf32> to vector<16xf32>
      %swap3A_321 = vector.shape_cast %mul3A_316 : vector<16xf32> to vector<1x16xf32>
      tpu.vector_store %arg10[%swap3A_317, %swap3A_318], %swap3A_321 {strides = array<i32>} : memref<128x128xf32, #tpu.memory_space<vmem>>, vector<1x16xf32>,
      %get3A_322 = arith.index_cast %add3A_239 : i32 to index
      %get3A_323 = arith.constant 96 : index
      %get3A_324 = tpu.vector_load %arg10[%get3A_322, %get3A_323] {strides = array<i32>} : memref<128x128xf32, #tpu.memory_space<vmem>>, vector<1x16xf32>,
      %get3A_325 = vector.shape_cast %get3A_324 : vector<1x16xf32> to vector<16xf32>
      %get3A_326 = arith.index_cast %add3A_239 : i32 to index
      %get3A_327 = arith.constant 96 : index
      %get3A_328 = tpu.vector_load %arg13[%get3A_326, %get3A_327] {strides = array<i32>} : memref<128x128xf32, #tpu.memory_space<vmem>>, vector<1x16xf32>,
      %get3A_329 = vector.shape_cast %get3A_328 : vector<1x16xf32> to vector<16xf32>
      %mul3A_330 = arith.mulf %get3A_325, %get3A_329 : vector<16xf32>
      %swap3A_331 = arith.index_cast %add3A_239 : i32 to index
      %swap3A_332 = arith.constant 96 : index
      %swap3A_333 = tpu.vector_load %arg10[%swap3A_331, %swap3A_332] {strides = array<i32>} : memref<128x128xf32, #tpu.memory_space<vmem>>, vector<1x16xf32>,
      %swap3A_334 = vector.shape_cast %swap3A_333 : vector<1x16xf32> to vector<16xf32>
      %swap3A_335 = vector.shape_cast %mul3A_330 : vector<16xf32> to vector<1x16xf32>
      tpu.vector_store %arg10[%swap3A_331, %swap3A_332], %swap3A_335 {strides = array<i32>} : memref<128x128xf32, #tpu.memory_space<vmem>>, vector<1x16xf32>,
      %get3A_336 = arith.index_cast %add3A_239 : i32 to index
      %get3A_337 = arith.constant 112 : index
      %get3A_338 = tpu.vector_load %arg10[%get3A_336, %get3A_337] {strides = array<i32>} : memref<128x128xf32, #tpu.memory_space<vmem>>, vector<1x16xf32>,
      %get3A_339 = vector.shape_cast %get3A_338 : vector<1x16xf32> to vector<16xf32>
      %get3A_340 = arith.index_cast %add3A_239 : i32 to index
      %get3A_341 = arith.constant 112 : index
      %get3A_342 = tpu.vector_load %arg13[%get3A_340, %get3A_341] {strides = array<i32>} : memref<128x128xf32, #tpu.memory_space<vmem>>, vector<1x16xf32>,
      %get3A_343 = vector.shape_cast %get3A_342 : vector<1x16xf32> to vector<16xf32>
      %mul3A_344 = arith.mulf %get3A_339, %get3A_343 : vector<16xf32>
      %swap3A_345 = arith.index_cast %add3A_239 : i32 to index
      %swap3A_346 = arith.constant 112 : index
      %swap3A_347 = tpu.vector_load %arg10[%swap3A_345, %swap3A_346] {strides = array<i32>} : memref<128x128xf32, #tpu.memory_space<vmem>>, vector<1x16xf32>,
      %swap3A_348 = vector.shape_cast %swap3A_347 : vector<1x16xf32> to vector<16xf32>
      %swap3A_349 = vector.shape_cast %mul3A_344 : vector<16xf32> to vector<1x16xf32>
      tpu.vector_store %arg10[%swap3A_345, %swap3A_346], %swap3A_349 {strides = array<i32>} : memref<128x128xf32, #tpu.memory_space<vmem>>, vector<1x16xf32>,
    }
    %scan3A_182 = arith.constant 128 : i32
    %add3A_183 = arith.constant 320 : i32
    %add3A_184 = arith.addi %mul3A_2, %add3A_183 : i32
    %dma_start3A_185 = arith.constant 0 : i32
    %dma_start3A_186 = tpu.memref_slice %arg5[%add3A_184, %dma_start3A_185] : memref<16384x128xf32, #tpu.memory_space<hbm>> -> memref<128x128xf32, #tpu.memory_space<hbm>>
    %dma_start3A_187 = arith.constant 0 : i32
    %dma_start3A_188 = tpu.memref_slice %arg5[%add3A_184, %dma_start3A_187] : memref<16384x128xf32, #tpu.memory_space<hbm>> -> memref<128x128xf32, #tpu.memory_space<hbm>>
    tpu.enqueue_dma source(%arg10 : memref<128x128xf32, #tpu.memory_space<vmem>>) target(%dma_start3A_188 : memref<128x128xf32, #tpu.memory_space<hbm>>) target_semaphore(%arg22 : memref<!tpu.dma_semaphore, #tpu.memory_space<semaphore_mem>>)
    %dma_wait3A_189 = arith.constant 448 : i32
    %dma_wait3A_190 = tpu.memref_slice %arg6[%dma_wait3A_189] : memref<512xi32, #tpu.memory_space<vmem>> -> memref<64xi32, #tpu.memory_space<vmem>>
    %dma_wait3A_191 = arith.constant 0 : i32
    %dma_wait3A_192 = arith.constant 0 : i32
    %dma_wait3A_193 = tpu.memref_slice %arg4[%dma_wait3A_191, %dma_wait3A_192] : memref<100000x128xf32, #tpu.memory_space<hbm>> -> memref<100000x128xf32, #tpu.memory_space<hbm>>
    tpu.wait_indirect_dma semaphore(%arg18 : memref<!tpu.dma_semaphore, #tpu.memory_space<semaphore_mem>>) src(%dma_wait3A_193 : memref<100000x128xf32, #tpu.memory_space<hbm>>) dst(%arg11 : memref<64x128xf32, #tpu.memory_space<vmem>>)
    %dma_wait3A_194 = arith.constant 0 : i32
    %dma_wait3A_195 = arith.constant 0 : i32
    %dma_wait3A_196 = tpu.memref_slice %arg12[%dma_wait3A_194, %dma_wait3A_195] : memref<128x128xf32, #tpu.memory_space<vmem>> -> memref<64x128xf32, #tpu.memory_space<vmem>>
    %dma_wait3A_197 = arith.constant 0 : i32
    %dma_wait3A_198 = tpu.memref_slice %arg2[%add3A_152, %dma_wait3A_197] : memref<16384x128xf32, #tpu.memory_space<hbm>> -> memref<64x128xf32, #tpu.memory_space<hbm>>
    %dma_wait3A_199 = arith.constant 0 : i32
    %dma_wait3A_200 = arith.constant 0 : i32
    %dma_wait3A_201 = tpu.memref_slice %arg12[%dma_wait3A_199, %dma_wait3A_200] : memref<128x128xf32, #tpu.memory_space<vmem>> -> memref<64x128xf32, #tpu.memory_space<vmem>>
    %dma_wait3A_202 = arith.constant 0 : i32
    %dma_wait3A_203 = tpu.memref_slice %arg2[%add3A_152, %dma_wait3A_202] : memref<16384x128xf32, #tpu.memory_space<hbm>> -> memref<64x128xf32, #tpu.memory_space<hbm>>
    tpu.wait_dma2 semaphore(%arg19 : memref<!tpu.dma_semaphore, #tpu.memory_space<semaphore_mem>>) src(%dma_wait3A_203 : memref<64x128xf32, #tpu.memory_space<hbm>>) dst(%dma_wait3A_201 : memref<64x128xf32, #tpu.memory_space<vmem>>)
    %scan3A_204 = arith.constant 0 : i32
    %scan3A_205 = arith.constant 64 : i32
    %scan3A_206 = arith.addi %scan3A_204, %scan3A_205 : i32
    %scan3A_207 = arith.constant 1 : i32
    scf.for %scan3A_235 = %scan3A_204 to %scan3A_206 step %scan3A_207  : i32 {
      %mul3A_236 = arith.constant 1 : i32
      %mul3A_237 = arith.muli %scan3A_235, %mul3A_236 : i32
      %add3A_238 = arith.constant 0 : i32
      %add3A_239 = arith.addi %add3A_238, %mul3A_237 : i32
      %get3A = arith.index_cast %add3A_239 : i32 to index
      %get3A_240 = arith.constant 0 : index
      %get3A_241 = tpu.vector_load %arg11[%get3A, %get3A_240] {strides = array<i32>} : memref<64x128xf32, #tpu.memory_space<vmem>>, vector<1x16xf32>,
      %get3A_242 = vector.shape_cast %get3A_241 : vector<1x16xf32> to vector<16xf32>
      %get3A_243 = arith.index_cast %add3A_239 : i32 to index
      %get3A_244 = arith.constant 0 : index
      %get3A_245 = tpu.vector_load %arg12[%get3A_243, %get3A_244] {strides = array<i32>} : memref<128x128xf32, #tpu.memory_space<vmem>>, vector<1x16xf32>,
      %get3A_246 = vector.shape_cast %get3A_245 : vector<1x16xf32> to vector<16xf32>
      %mul3A_247 = arith.mulf %get3A_242, %get3A_246 : vector<16xf32>
      %swap3A = arith.index_cast %add3A_239 : i32 to index
      %swap3A_248 = arith.constant 0 : index
      %swap3A_249 = tpu.vector_load %arg11[%swap3A, %swap3A_248] {strides = array<i32>} : memref<64x128xf32, #tpu.memory_space<vmem>>, vector<1x16xf32>,
      %swap3A_250 = vector.shape_cast %swap3A_249 : vector<1x16xf32> to vector<16xf32>
      %swap3A_251 = vector.shape_cast %mul3A_247 : vector<16xf32> to vector<1x16xf32>
      tpu.vector_store %arg11[%swap3A, %swap3A_248], %swap3A_251 {strides = array<i32>} : memref<64x128xf32, #tpu.memory_space<vmem>>, vector<1x16xf32>,
      %get3A_252 = arith.index_cast %add3A_239 : i32 to index
      %get3A_253 = arith.constant 16 : index
      %get3A_254 = tpu.vector_load %arg11[%get3A_252, %get3A_253] {strides = array<i32>} : memref<64x128xf32, #tpu.memory_space<vmem>>, vector<1x16xf32>,
      %get3A_255 = vector.shape_cast %get3A_254 : vector<1x16xf32> to vector<16xf32>
      %get3A_256 = arith.index_cast %add3A_239 : i32 to index
      %get3A_257 = arith.constant 16 : index
      %get3A_258 = tpu.vector_load %arg12[%get3A_256, %get3A_257] {strides = array<i32>} : memref<128x128xf32, #tpu.memory_space<vmem>>, vector<1x16xf32>,
      %get3A_259 = vector.shape_cast %get3A_258 : vector<1x16xf32> to vector<16xf32>
      %mul3A_260 = arith.mulf %get3A_255, %get3A_259 : vector<16xf32>
      %swap3A_261 = arith.index_cast %add3A_239 : i32 to index
      %swap3A_262 = arith.constant 16 : index
      %swap3A_263 = tpu.vector_load %arg11[%swap3A_261, %swap3A_262] {strides = array<i32>} : memref<64x128xf32, #tpu.memory_space<vmem>>, vector<1x16xf32>,
      %swap3A_264 = vector.shape_cast %swap3A_263 : vector<1x16xf32> to vector<16xf32>
      %swap3A_265 = vector.shape_cast %mul3A_260 : vector<16xf32> to vector<1x16xf32>
      tpu.vector_store %arg11[%swap3A_261, %swap3A_262], %swap3A_265 {strides = array<i32>} : memref<64x128xf32, #tpu.memory_space<vmem>>, vector<1x16xf32>,
      %get3A_266 = arith.index_cast %add3A_239 : i32 to index
      %get3A_267 = arith.constant 32 : index
      %get3A_268 = tpu.vector_load %arg11[%get3A_266, %get3A_267] {strides = array<i32>} : memref<64x128xf32, #tpu.memory_space<vmem>>, vector<1x16xf32>,
      %get3A_269 = vector.shape_cast %get3A_268 : vector<1x16xf32> to vector<16xf32>
      %get3A_270 = arith.index_cast %add3A_239 : i32 to index
      %get3A_271 = arith.constant 32 : index
      %get3A_272 = tpu.vector_load %arg12[%get3A_270, %get3A_271] {strides = array<i32>} : memref<128x128xf32, #tpu.memory_space<vmem>>, vector<1x16xf32>,
      %get3A_273 = vector.shape_cast %get3A_272 : vector<1x16xf32> to vector<16xf32>
      %mul3A_274 = arith.mulf %get3A_269, %get3A_273 : vector<16xf32>
      %swap3A_275 = arith.index_cast %add3A_239 : i32 to index
      %swap3A_276 = arith.constant 32 : index
      %swap3A_277 = tpu.vector_load %arg11[%swap3A_275, %swap3A_276] {strides = array<i32>} : memref<64x128xf32, #tpu.memory_space<vmem>>, vector<1x16xf32>,
      %swap3A_278 = vector.shape_cast %swap3A_277 : vector<1x16xf32> to vector<16xf32>
      %swap3A_279 = vector.shape_cast %mul3A_274 : vector<16xf32> to vector<1x16xf32>
      tpu.vector_store %arg11[%swap3A_275, %swap3A_276], %swap3A_279 {strides = array<i32>} : memref<64x128xf32, #tpu.memory_space<vmem>>, vector<1x16xf32>,
      %get3A_280 = arith.index_cast %add3A_239 : i32 to index
      %get3A_281 = arith.constant 48 : index
      %get3A_282 = tpu.vector_load %arg11[%get3A_280, %get3A_281] {strides = array<i32>} : memref<64x128xf32, #tpu.memory_space<vmem>>, vector<1x16xf32>,
      %get3A_283 = vector.shape_cast %get3A_282 : vector<1x16xf32> to vector<16xf32>
      %get3A_284 = arith.index_cast %add3A_239 : i32 to index
      %get3A_285 = arith.constant 48 : index
      %get3A_286 = tpu.vector_load %arg12[%get3A_284, %get3A_285] {strides = array<i32>} : memref<128x128xf32, #tpu.memory_space<vmem>>, vector<1x16xf32>,
      %get3A_287 = vector.shape_cast %get3A_286 : vector<1x16xf32> to vector<16xf32>
      %mul3A_288 = arith.mulf %get3A_283, %get3A_287 : vector<16xf32>
      %swap3A_289 = arith.index_cast %add3A_239 : i32 to index
      %swap3A_290 = arith.constant 48 : index
      %swap3A_291 = tpu.vector_load %arg11[%swap3A_289, %swap3A_290] {strides = array<i32>} : memref<64x128xf32, #tpu.memory_space<vmem>>, vector<1x16xf32>,
      %swap3A_292 = vector.shape_cast %swap3A_291 : vector<1x16xf32> to vector<16xf32>
      %swap3A_293 = vector.shape_cast %mul3A_288 : vector<16xf32> to vector<1x16xf32>
      tpu.vector_store %arg11[%swap3A_289, %swap3A_290], %swap3A_293 {strides = array<i32>} : memref<64x128xf32, #tpu.memory_space<vmem>>, vector<1x16xf32>,
      %get3A_294 = arith.index_cast %add3A_239 : i32 to index
      %get3A_295 = arith.constant 64 : index
      %get3A_296 = tpu.vector_load %arg11[%get3A_294, %get3A_295] {strides = array<i32>} : memref<64x128xf32, #tpu.memory_space<vmem>>, vector<1x16xf32>,
      %get3A_297 = vector.shape_cast %get3A_296 : vector<1x16xf32> to vector<16xf32>
      %get3A_298 = arith.index_cast %add3A_239 : i32 to index
      %get3A_299 = arith.constant 64 : index
      %get3A_300 = tpu.vector_load %arg12[%get3A_298, %get3A_299] {strides = array<i32>} : memref<128x128xf32, #tpu.memory_space<vmem>>, vector<1x16xf32>,
      %get3A_301 = vector.shape_cast %get3A_300 : vector<1x16xf32> to vector<16xf32>
      %mul3A_302 = arith.mulf %get3A_297, %get3A_301 : vector<16xf32>
      %swap3A_303 = arith.index_cast %add3A_239 : i32 to index
      %swap3A_304 = arith.constant 64 : index
      %swap3A_305 = tpu.vector_load %arg11[%swap3A_303, %swap3A_304] {strides = array<i32>} : memref<64x128xf32, #tpu.memory_space<vmem>>, vector<1x16xf32>,
      %swap3A_306 = vector.shape_cast %swap3A_305 : vector<1x16xf32> to vector<16xf32>
      %swap3A_307 = vector.shape_cast %mul3A_302 : vector<16xf32> to vector<1x16xf32>
      tpu.vector_store %arg11[%swap3A_303, %swap3A_304], %swap3A_307 {strides = array<i32>} : memref<64x128xf32, #tpu.memory_space<vmem>>, vector<1x16xf32>,
      %get3A_308 = arith.index_cast %add3A_239 : i32 to index
      %get3A_309 = arith.constant 80 : index
      %get3A_310 = tpu.vector_load %arg11[%get3A_308, %get3A_309] {strides = array<i32>} : memref<64x128xf32, #tpu.memory_space<vmem>>, vector<1x16xf32>,
      %get3A_311 = vector.shape_cast %get3A_310 : vector<1x16xf32> to vector<16xf32>
      %get3A_312 = arith.index_cast %add3A_239 : i32 to index
      %get3A_313 = arith.constant 80 : index
      %get3A_314 = tpu.vector_load %arg12[%get3A_312, %get3A_313] {strides = array<i32>} : memref<128x128xf32, #tpu.memory_space<vmem>>, vector<1x16xf32>,
      %get3A_315 = vector.shape_cast %get3A_314 : vector<1x16xf32> to vector<16xf32>
      %mul3A_316 = arith.mulf %get3A_311, %get3A_315 : vector<16xf32>
      %swap3A_317 = arith.index_cast %add3A_239 : i32 to index
      %swap3A_318 = arith.constant 80 : index
      %swap3A_319 = tpu.vector_load %arg11[%swap3A_317, %swap3A_318] {strides = array<i32>} : memref<64x128xf32, #tpu.memory_space<vmem>>, vector<1x16xf32>,
      %swap3A_320 = vector.shape_cast %swap3A_319 : vector<1x16xf32> to vector<16xf32>
      %swap3A_321 = vector.shape_cast %mul3A_316 : vector<16xf32> to vector<1x16xf32>
      tpu.vector_store %arg11[%swap3A_317, %swap3A_318], %swap3A_321 {strides = array<i32>} : memref<64x128xf32, #tpu.memory_space<vmem>>, vector<1x16xf32>,
      %get3A_322 = arith.index_cast %add3A_239 : i32 to index
      %get3A_323 = arith.constant 96 : index
      %get3A_324 = tpu.vector_load %arg11[%get3A_322, %get3A_323] {strides = array<i32>} : memref<64x128xf32, #tpu.memory_space<vmem>>, vector<1x16xf32>,
      %get3A_325 = vector.shape_cast %get3A_324 : vector<1x16xf32> to vector<16xf32>
      %get3A_326 = arith.index_cast %add3A_239 : i32 to index
      %get3A_327 = arith.constant 96 : index
      %get3A_328 = tpu.vector_load %arg12[%get3A_326, %get3A_327] {strides = array<i32>} : memref<128x128xf32, #tpu.memory_space<vmem>>, vector<1x16xf32>,
      %get3A_329 = vector.shape_cast %get3A_328 : vector<1x16xf32> to vector<16xf32>
      %mul3A_330 = arith.mulf %get3A_325, %get3A_329 : vector<16xf32>
      %swap3A_331 = arith.index_cast %add3A_239 : i32 to index
      %swap3A_332 = arith.constant 96 : index
      %swap3A_333 = tpu.vector_load %arg11[%swap3A_331, %swap3A_332] {strides = array<i32>} : memref<64x128xf32, #tpu.memory_space<vmem>>, vector<1x16xf32>,
      %swap3A_334 = vector.shape_cast %swap3A_333 : vector<1x16xf32> to vector<16xf32>
      %swap3A_335 = vector.shape_cast %mul3A_330 : vector<16xf32> to vector<1x16xf32>
      tpu.vector_store %arg11[%swap3A_331, %swap3A_332], %swap3A_335 {strides = array<i32>} : memref<64x128xf32, #tpu.memory_space<vmem>>, vector<1x16xf32>,
      %get3A_336 = arith.index_cast %add3A_239 : i32 to index
      %get3A_337 = arith.constant 112 : index
      %get3A_338 = tpu.vector_load %arg11[%get3A_336, %get3A_337] {strides = array<i32>} : memref<64x128xf32, #tpu.memory_space<vmem>>, vector<1x16xf32>,
      %get3A_339 = vector.shape_cast %get3A_338 : vector<1x16xf32> to vector<16xf32>
      %get3A_340 = arith.index_cast %add3A_239 : i32 to index
      %get3A_341 = arith.constant 112 : index
      %get3A_342 = tpu.vector_load %arg12[%get3A_340, %get3A_341] {strides = array<i32>} : memref<128x128xf32, #tpu.memory_space<vmem>>, vector<1x16xf32>,
      %get3A_343 = vector.shape_cast %get3A_342 : vector<1x16xf32> to vector<16xf32>
      %mul3A_344 = arith.mulf %get3A_339, %get3A_343 : vector<16xf32>
      %swap3A_345 = arith.index_cast %add3A_239 : i32 to index
      %swap3A_346 = arith.constant 112 : index
      %swap3A_347 = tpu.vector_load %arg11[%swap3A_345, %swap3A_346] {strides = array<i32>} : memref<64x128xf32, #tpu.memory_space<vmem>>, vector<1x16xf32>,
      %swap3A_348 = vector.shape_cast %swap3A_347 : vector<1x16xf32> to vector<16xf32>
      %swap3A_349 = vector.shape_cast %mul3A_344 : vector<16xf32> to vector<1x16xf32>
      tpu.vector_store %arg11[%swap3A_345, %swap3A_346], %swap3A_349 {strides = array<i32>} : memref<64x128xf32, #tpu.memory_space<vmem>>, vector<1x16xf32>,
    }
    %scan3A_208 = arith.constant 64 : i32
    %add3A_209 = arith.constant 448 : i32
    %add3A_210 = arith.addi %mul3A_2, %add3A_209 : i32
    %dma_start3A_211 = arith.constant 0 : i32
    %dma_start3A_212 = tpu.memref_slice %arg5[%add3A_210, %dma_start3A_211] : memref<16384x128xf32, #tpu.memory_space<hbm>> -> memref<64x128xf32, #tpu.memory_space<hbm>>
    %dma_start3A_213 = arith.constant 0 : i32
    %dma_start3A_214 = tpu.memref_slice %arg5[%add3A_210, %dma_start3A_213] : memref<16384x128xf32, #tpu.memory_space<hbm>> -> memref<64x128xf32, #tpu.memory_space<hbm>>
    tpu.enqueue_dma source(%arg11 : memref<64x128xf32, #tpu.memory_space<vmem>>) target(%dma_start3A_214 : memref<64x128xf32, #tpu.memory_space<hbm>>) target_semaphore(%arg21 : memref<!tpu.dma_semaphore, #tpu.memory_space<semaphore_mem>>)
    %dma_wait3A_215 = arith.constant 0 : i32
    %dma_wait3A_216 = tpu.memref_slice %arg5[%add3A_70, %dma_wait3A_215] : memref<16384x128xf32, #tpu.memory_space<hbm>> -> memref<64x128xf32, #tpu.memory_space<hbm>>
    %dma_wait3A_217 = arith.constant 0 : i32
    %dma_wait3A_218 = tpu.memref_slice %arg5[%add3A_70, %dma_wait3A_217] : memref<16384x128xf32, #tpu.memory_space<hbm>> -> memref<64x128xf32, #tpu.memory_space<hbm>>
    tpu.wait_dma2 semaphore(%arg21 : memref<!tpu.dma_semaphore, #tpu.memory_space<semaphore_mem>>) src(%arg7 : memref<64x128xf32, #tpu.memory_space<vmem>>) dst(%dma_wait3A_218 : memref<64x128xf32, #tpu.memory_space<hbm>>)
    %dma_wait3A_219 = arith.constant 0 : i32
    %dma_wait3A_220 = tpu.memref_slice %arg5[%add3A_108, %dma_wait3A_219] : memref<16384x128xf32, #tpu.memory_space<hbm>> -> memref<128x128xf32, #tpu.memory_space<hbm>>
    %dma_wait3A_221 = arith.constant 0 : i32
    %dma_wait3A_222 = tpu.memref_slice %arg5[%add3A_108, %dma_wait3A_221] : memref<16384x128xf32, #tpu.memory_space<hbm>> -> memref<128x128xf32, #tpu.memory_space<hbm>>
    tpu.wait_dma2 semaphore(%arg22 : memref<!tpu.dma_semaphore, #tpu.memory_space<semaphore_mem>>) src(%arg8 : memref<128x128xf32, #tpu.memory_space<vmem>>) dst(%dma_wait3A_222 : memref<128x128xf32, #tpu.memory_space<hbm>>)
    %dma_wait3A_223 = arith.constant 0 : i32
    %dma_wait3A_224 = tpu.memref_slice %arg5[%add3A_146, %dma_wait3A_223] : memref<16384x128xf32, #tpu.memory_space<hbm>> -> memref<128x128xf32, #tpu.memory_space<hbm>>
    %dma_wait3A_225 = arith.constant 0 : i32
    %dma_wait3A_226 = tpu.memref_slice %arg5[%add3A_146, %dma_wait3A_225] : memref<16384x128xf32, #tpu.memory_space<hbm>> -> memref<128x128xf32, #tpu.memory_space<hbm>>
    tpu.wait_dma2 semaphore(%arg21 : memref<!tpu.dma_semaphore, #tpu.memory_space<semaphore_mem>>) src(%arg9 : memref<128x128xf32, #tpu.memory_space<vmem>>) dst(%dma_wait3A_226 : memref<128x128xf32, #tpu.memory_space<hbm>>)
    %dma_wait3A_227 = arith.constant 0 : i32
    %dma_wait3A_228 = tpu.memref_slice %arg5[%add3A_184, %dma_wait3A_227] : memref<16384x128xf32, #tpu.memory_space<hbm>> -> memref<128x128xf32, #tpu.memory_space<hbm>>
    %dma_wait3A_229 = arith.constant 0 : i32
    %dma_wait3A_230 = tpu.memref_slice %arg5[%add3A_184, %dma_wait3A_229] : memref<16384x128xf32, #tpu.memory_space<hbm>> -> memref<128x128xf32, #tpu.memory_space<hbm>>
    tpu.wait_dma2 semaphore(%arg22 : memref<!tpu.dma_semaphore, #tpu.memory_space<semaphore_mem>>) src(%arg10 : memref<128x128xf32, #tpu.memory_space<vmem>>) dst(%dma_wait3A_230 : memref<128x128xf32, #tpu.memory_space<hbm>>)
    %dma_wait3A_231 = arith.constant 0 : i32
    %dma_wait3A_232 = tpu.memref_slice %arg5[%add3A_210, %dma_wait3A_231] : memref<16384x128xf32, #tpu.memory_space<hbm>> -> memref<64x128xf32, #tpu.memory_space<hbm>>
    %dma_wait3A_233 = arith.constant 0 : i32
    %dma_wait3A_234 = tpu.memref_slice %arg5[%add3A_210, %dma_wait3A_233] : memref<16384x128xf32, #tpu.memory_space<hbm>> -> memref<64x128xf32, #tpu.memory_space<hbm>>
    tpu.wait_dma2 semaphore(%arg21 : memref<!tpu.dma_semaphore, #tpu.memory_space<semaphore_mem>>) src(%arg11 : memref<64x128xf32, #tpu.memory_space<vmem>>) dst(%dma_wait3A_234 : memref<64x128xf32, #tpu.memory_space<hbm>>)
    return
  }
}

</mosaic_0001>

<sc_bundles>
// kernel: kernel.3.cloned.1.call-start
scs
__scs_entry_jumppad:
0x0: {  	(pc) =	sbr.rel $0x88, $3  }
0x1: {  	(tag) =	ssettag $0x0;
	lr =	simm.s32 $0x1  }
0x2: {  	[smem:$0x3F9E] =	sst lr;
	_ =	strace $0xD0000000  }
0x3: {  	_ = 	snop  }
0x4: {  	_ = 	snop  }
0x5: {  	_ = 	snop  }
0x6: {  	_ = 	snop  }
0x7: {  	_ = 	snop  }
__scs_overlays_trampoline_lowered:
0x8: {  	[smem:$0x3FAD] =	sst s0  }
0x9: {  	[smem:$0x3FAE] =	sst s1  }
0xa: {  	[smem:$0x3FAF] =	sst s2  }
0xb: {  	[smem:$0x3FB0] =	sst s3  }
0xc: {  	[smem:$0x3FB1] =	sst s4  }
0xd: {  	[smem:$0x3FB2] =	sst s5  }
0xe: {  	[smem:$0x3FB3] =	sst s6  }
0xf: {  	[smem:$0x3FB4] =	sst s7  }
0x10: {  	[smem:$0x3FB5] =	sst s8  }
0x11: {  	[smem:$0x3FB6] =	sst s9;
	s0 =	simm.s32 @!p0 $0x0  }
0x12: {  	s1 =	sld [smem:$0x3F9C];
	s0 =	simm.s32 @p0 $0x1  }
0x13: {  	[smem:$0x3FB7] =	sst s0;
	s0 =	simm.s32 @!p1 $0x0  }
0x14: {  	s2 =	sld [smem:$0x3F9B];
	s0 =	simm.s32 @p1 $0x1  }
0x15: {  	[smem:$0x3FB8] =	sst s0;
	s0 =	simm.s32 @!p2 $0x0  }
0x16: {  	s3 =	sld [smem:$0x3FDB];
	s0 =	simm.s32 @p2 $0x1  }
0x17: {  	s4 =	simm.s32 $0x1BF5;
	[smem:$0x3FBA] =	sst s0  }
0x18: {  	s0 =	sld [smem:$0x3F9D];
	_ =	swait.ge [sflag:s4], $0x0  }
0x19: {  	s7 =	sld [smem:$0x3F9E]  }
0x1a: {  	s8 =	sadd.s32 $0xFFFFE003, lr  }
0x1b: {  	s9 =	sadd.s32 $0xFFFFFEF7, lr;
	s5 =	simm.s32 $0xFFFFFFFF;
	p2 =	slt.u32 s8, $0xFFFFF086  }
0x1c: {  	p1 =	slt.u32 s9, $0xF7A;
	s5 =	simm.s32 @!p2 $0x0  }
0x1d: {  	s5 =	simm.s32 @p1 $0x1;
	p0 =	seq.s32 s7, s2  }
0x1e: {  	s7 =	smul.u32 @!p0 $0xF7A, s2;
	p2 =	seq.s32 @!p0 s5, $0x0  }
0x1f: {  	s9 =	smul.u32 $0xF7A, s1;
	s8 =	simm.s32 @!p0 $0x1BF5;
	p2 =	por !p2, p0  }
0x20: {  	[sflag:s8] =	ssyncset.s32 @!p0 $0xFFFFF086;
	s6 =	sadd.s32 @!p0 s3, s7;
	s7 =	simm.s32 @!p0 $0x108  }
0x21: {  	s3 =	sadd.s32 s3, s9;
	s6 =	sadd.s32 @!p0 $0x88, s6;
	s7 =	simm.s32 @p2 $0x1082  }
0x22: {  	[simem:s7], [sflag:s8] =	dma.local @!p0 [hbm:s6], $0xF7A  }
0x23: {  	s9 =	sor.u32 $0xD0000000, s2;
	s6 =	simm.s32 $0x108;
	_ =	swait.ge @!p0 [sflag:s8], $0x0  }
0x24: {  	s3 =	sadd.s32 $0x88, s3;
	s6 =	simm.s32 @!p1 $0x1082;
	[sflag:s4] =	ssyncset.s32 $0xFFFFF086  }
0x25: {  	[simem:s6], [sflag:s4] =	dma.local [hbm:s3], $0xF7A  }
0x26: {  	[smem:$0x3F9E] =	sst s1;
	(tag) =	ssettag s2;
	_ =	strace s9  }
0x27: {  	s1 =	sld [smem:$0x3FAE]  }
0x28: {  	s2 =	sld [smem:$0x3FAF]  }
0x29: {  	s4 =	sld [smem:$0x3FB1]  }
0x2a: {  	p0 =	seq.s32 s5, $0x0;
	s5 =	sld [smem:$0x3FB2]  }
0x2b: {  	s6 =	sld [smem:$0x3FB3]  }
0x2c: {  	s7 =	sld [smem:$0x3FB4]  }
0x2d: {  	s3 =	simm.s32 $0x108;
	s8 =	sld [smem:$0x3FB5]  }
0x2e: {  	s3 =	simm.s32 @!p0 $0x1082;
	s9 =	sld [smem:$0x3FB6]  }
0x2f: {  	lr =	sadd.s32 s0, s3;
	s0 =	sld [smem:$0x3FAD]  }
0x30: {  	s3 =	sld [smem:$0x3FB0]  }
0x31: {  	[smem:$0x3FB9] =	sst s10  }
0x32: {  	s10 =	sld [smem:$0x3FB7];
	_ =	sdelay $0x3  }
0x33: {  	p0 =	seq.s32 s10, $0x1;
	s10 =	sld [smem:$0x3FB9];
	_ =	sdelay $0x3  }
0x34: {  	[smem:$0x3FB9] =	sst s10  }
0x35: {  	s10 =	sld [smem:$0x3FB8];
	_ =	sdelay $0x3  }
0x36: {  	p1 =	seq.s32 s10, $0x1;
	s10 =	sld [smem:$0x3FB9];
	_ =	sdelay $0x3  }
0x37: {  	[smem:$0x3FB9] =	sst s10  }
0x38: {  	s10 =	sld [smem:$0x3FBA]  }
0x39: {  	_ = 	snop;
	(pc) =	sbr.ind lr, $3  }
0x3a: {  	_ = 	snop  }
0x3b: {  	_ = 	snop  }
0x3c: {  	p2 =	seq.s32 s10, $0x1;
	s10 =	sld [smem:$0x3FB9]  }
0x3d: {  	_ =	shalt  }
0x3e: {  	_ =	shalt  }
0x3f: {  	_ =	shalt  }
0x40: {  	_ =	shalt  }
0x41: {  	_ =	shalt  }
0x42: {  	_ =	shalt  }
0x43: {  	_ =	shalt  }
0x44: {  	_ =	shalt  }
0x45: {  	_ =	shalt  }
0x46: {  	_ =	shalt  }
0x47: {  	_ =	shalt  }
0x48: {  	_ =	shalt  }
0x49: {  	_ =	shalt  }
0x4a: {  	_ =	shalt  }
0x4b: {  	_ =	shalt  }
0x4c: {  	_ =	shalt  }
0x4d: {  	_ =	shalt  }
0x4e: {  	_ =	shalt  }
0x4f: {  	_ =	shalt  }
0x50: {  	_ =	shalt  }
0x51: {  	_ =	shalt  }
0x52: {  	_ =	shalt  }
0x53: {  	_ =	shalt  }
0x54: {  	_ =	shalt  }
0x55: {  	_ =	shalt  }
0x56: {  	_ =	shalt  }
0x57: {  	_ =	shalt  }
0x58: {  	_ =	shalt  }
0x59: {  	_ =	shalt  }
0x5a: {  	_ =	shalt  }
0x5b: {  	_ =	shalt  }
0x5c: {  	_ =	shalt  }
0x5d: {  	_ =	shalt  }
0x5e: {  	_ =	shalt  }
0x5f: {  	_ =	shalt  }
0x60: {  	_ =	shalt  }
0x61: {  	_ =	shalt  }
0x62: {  	_ =	shalt  }
0x63: {  	_ =	shalt  }
0x64: {  	_ =	shalt  }
0x65: {  	_ =	shalt  }
0x66: {  	_ =	shalt  }
0x67: {  	_ =	shalt  }
0x68: {  	_ =	shalt  }
0x69: {  	_ =	shalt  }
0x6a: {  	_ =	shalt  }
0x6b: {  	_ =	shalt  }
0x6c: {  	_ =	shalt  }
0x6d: {  	_ =	shalt  }
0x6e: {  	_ =	shalt  }
0x6f: {  	_ =	shalt  }
0x70: {  	_ =	shalt  }
0x71: {  	_ =	shalt  }
0x72: {  	_ =	shalt  }
0x73: {  	_ =	shalt  }
0x74: {  	_ =	shalt  }
0x75: {  	_ =	shalt  }
0x76: {  	_ =	shalt  }
0x77: {  	_ =	shalt  }
0x78: {  	_ =	shalt  }
0x79: {  	_ =	shalt  }
0x7a: {  	_ =	shalt  }
0x7b: {  	_ =	shalt  }
0x7c: {  	_ =	shalt  }
0x7d: {  	_ =	shalt  }
0x7e: {  	_ =	shalt  }
0x7f: {  	_ =	shalt  }
0x80: {  	_ =	shalt  }
0x81: {  	_ =	shalt  }
0x82: {  	_ =	shalt  }
0x83: {  	_ =	shalt  }
0x84: {  	_ =	shalt  }
0x85: {  	_ =	shalt  }
0x86: {  	_ =	shalt  }
0x87: {  	_ =	shalt  }
.Lfunc_end0:
.L_simem_size_0:
called_computation_lowered:
.L_overlay_start_0:
0x88: {  	s2 =	sld [smem:$0x3FD9]  }
0x89: {  	s3 =	sld [smem:$0x3FFE];
	_ =	sdelay $0x1  }
0x8a: {  	s1 =	srdreg.scid  }
0x8b: {  	s0 =	sand.u32 $0x1, s1  }
0x8c: {  	s18 =	sshll.u32 s0, $0xA;
	s2 =	sadd.s32 s3, s2  }
0x8d: {  	s2 =	sadd.s32 s2, s18  }
0x8e: {  	[smem:$0x3FC5] =	sst s2  }
0x8f: {  	_ = 	snop  }
0x90: {  	s2 =	sld [smem:$0x3FC9]  }
0x91: {  	s19 =	sld [smem:$0x3FC8]  }
0x92: {  	s4 =	sld [smem:$0x3FC7]  }
0x93: {  	s5 =	sld [smem:$0x3FD0];
	(tm) =	ssettm $0x1  }
0x94: {  	s6 =	sld [smem:$0x3FFB];
	_ =	sdelay $0x3  }
0x95: {  	_ =	strace s6  }
0x96: {  	s6 =	sld [smem:$0x3FFC];
	_ =	sdelay $0x3  }
0x97: {  	_ =	strace s6  }
0x98: {  	s6 =	sld [smem:$0x3FFD];
	_ =	sdelay $0x3  }
0x99: {  	_ =	strace s6  }
0x9a: {  	_ =	strace $0x8FFFFFFF  }
0x9b: {  	s20 =	sld [smem:$0x3FDB];
	_ =	sdelay $0x1  }
0x9c: {  	s7 =	simm.s32 $_scs_section_size  }
0x9d: {  	s8 =	simm.s32 $_size__tile_overlayer_lowered;
	s9 =	simm.s32 $_tile_overlayer_lowered  }
0x9e: {  	s23 =	simm.s32 $0x1BFF;
	s22 =	sshll.u32 s9, $0x1;
	s6 =	sadd.s32 s7, s20  }
0x9f: {  	s10 =	simm.s32 $0x0;
	s21 =	sshll.u32 s8, $0x1;
	s8 =	sadd.s32 s22, s6  }
0xa0: {  	[timem:s10], [sflag:s23] =	dma.local [hbm:s8], s21  }
0xa1: {  	_ =	swait.ge [sflag:s23], s21  }
0xa2: {  	s7 =	ssub.s32 $0x0, s21;
	[sflag:s23] =	ssyncset.done $0x0  }
0xa3: {  	[sflag:s23] =	ssyncadd.s32 s7;
	_ =	sdelay $0x1  }
0xa4: {  	s24 =	simm.s32 $0x1B8B  }
0xa5: {  	_ =	swait.ge [sflag:s24], $0x1  }
0xa6: {  	[sflag:s24] =	ssyncset.done $0x0  }
0xa7: {  	s25 =	simm.s32 $0x1B8E;
	[sflag:s24] =	ssyncadd.s32 $0xFFFFFFFF  }
0xa8: {  	s26 =	simm.s32 $execute0_lowered;
	[smem:$0x3FD2] =	sst s25  }
0xa9: {  	s7 =	sshll.u32 s26, $0x1;
	_ =	strace $0x80000046;
	[dreg:$0x1] =	wrdreg $0xFFFFFFFF  }
0xaa: {  	s28 =	simm.s32 $_size_execute0_lowered;
	s6 =	sadd.s32 s6, s7;
	[dreg:$0x0] =	wrdreg $0x0  }
0xab: {  	s7 =	sshll.u32 s28, $0x1;
	[dreg:$0x2] =	wrdreg s6  }
0xac: {  	[dreg:$0x3] =	wrdreg s7  }
0xad: {  	[dreg:$0x4] =	wrdreg $0xC0  }
0xae: {  	_ =	task [dreg:s10], $0x5FFFF  }
0xaf: {  	[dreg:$0x1] =	wrdreg $0xFFFFFFFF  }
0xb0: {  	[dreg:$0x0] =	wrdreg $0x60  }
0xb1: {  	[dreg:$0x2] =	wrdreg s2  }
0xb2: {  	[dreg:$0x3] =	wrdreg s19  }
0xb3: {  	[dreg:$0x4] =	wrdreg s4  }
0xb4: {  	[dreg:$0x5] =	wrdreg s5  }
0xb5: {  	[dreg:$0x6] =	wrdreg $0x9  }
0xb6: {  	_ =	task.clear_ibuf [dreg:s10], $0x7FFFF;
	_ =	strace $0x90000046  }
0xb7: {  	s29 =	simm.s32 $0x9;
	_ =	strace $0x80000048  }
0xb8: {  	_ =	swait.ge [sflag:s29], $0x1  }
0xb9: {  	[sflag:s29] =	ssyncadd.s32 $0xFFFFFFFF  }
0xba: {  	_ =	strace $0x90000048  }
0xbb: {  	_ =	sfence  }
0xbc: {  	s30 =	sld [smem:$0x0];
	_ =	sdelay $0x2  }
0xbd: {  	s31 =	sshll.u32 s1, $0xD;
	s1 =	sshrl.u32 s1, $0x2  }
0xbe: {  	s3 =	sand.u32 $0x4000, s31;
	s1 =	sadd.s32 s1, s30  }
0xbf: {  	s0 =	sor.u32 s3, s0;
	s1 =	sshll.u32 s1, $0x11  }
0xc0: {  	s0 =	sor.u32 s1, s0  }
0xc1: {  	s0 =	sadd.s32 $0x8F2B, s0  }
0xc2: {  	[sflag:s0] =	ssyncadd.remote.s32 $0x1  }
0xc3: {  	_ =	sfence.sel $0xFFFF  }
0xc4: {  	[dreg:$0x0] =	wrdreg $0xFFFFFFFF;
	(pc) =	sbr.abs _section_cstart, $3  }
0xc5: {  	[dreg:$0x1] =	wrdreg $0xFFFFFFFF  }
0xc6: {  	_ =	task.clear_ibuf [dreg:s10], $0x2FFFF;
	_ =	strace $0x9FFFFFFF  }
0xc7: {  	(tm) =	ssettm $0x7FFFFFFF  }
tec
execute0_lowered:
.L_overlay_start_1:
0x0: {  	(tag) =	ssettag $0x1  }
0x1: {  	s0 =	rddreg [dreg:$0x0]  }
0x2: {  	s1 =	rddreg [dreg:$0x1]  }
0x3: {  	s2 =	rddreg [dreg:$0x2];
	s3 =	srdreg.scid  }
0x4: {  	s4 =	rddreg [dreg:$0x3];
	s6 =	stileid.u32  }
0x5: {  	s16 =	simm.s32 $0x10200;
	s17 =	simm.s32 $0x14200;
	s29 =	simm.s32 $0xE200  }
0x6: {  	s30 =	simm.s32 $0x1;
	s31 =	simm.s32 $0x6;
	s28 =	simm.s32 $0x5  }
0x7: {  	s5 =	sand.u32 $0x1, s3;
	s6 =	sshll.u32 s6, $0xA;
	s3 =	simm.s32 $0x0  }
0x8: {  	s7 =	sshll.u32 s5, $0x9;
	s5 =	ssub.s32 $0x2, s5;
	[smem:$0x7FF] =	sst s3  }
0x9: {  	s6 =	sor.u32 s7, s6;
	s18 =	sshrl.u32 s5, $0x1;
	_ =	strace $0x80000047  }
0xa: {  	s8 =	sshll.u32 s6, $0x4;
	s5 =	ssub.s32 s5, s18;
	s6 =	sshrl.u32 s6, $0x3  }
0xb: {  	s18 =	simm.s32 $0xA;
	s19 =	sor.u32 $0x400, s8;
	s9 =	sadd.s32 s0, s8  }
0xc: {  	s1 =	sadd.s32 s1, s6;
	s21 =	sadd.s32 s4, s8;
	s22 =	sor.u32 $0xC00, s8  }
0xd: {  	s25 =	sor.u32 $0x1400, s8;
	s26 =	sor.u32 $0x1C00, s8;
	[dreg:$0x5] =	wrdreg s9  }
0xe: {  	s15 =	smax.u32 s5, $0x1;
	s5 =	simm.s32 $0x9;
	[dreg:$0x7] =	wrdreg s1  }
0xf: {  	s6 =	simm.s32 $0x0;
	s20 =	sadd.s32 s0, s19;
	[dreg:$0x8] =	wrdreg s21  }
0x10: {  	s23 =	sadd.s32 s0, s22;
	s24 =	sadd.s32 s4, s19;
	s10 =	sadd.s32 s0, s25  }
0x11: {  	s11 =	sadd.s32 s4, s22;
	s12 =	sadd.s32 s0, s26;
	s13 =	sadd.s32 s4, s25  }
0x12: {  	s14 =	sadd.s32 s4, s26;
	s19 =	simm.s32 $0x40;
	s21 =	simm.s32 $0x80  }
0x13: {  	s22 =	simm.s32 $0x2200;
	s26 =	simm.s32 $0xA200;
	[dreg:$0x6] =	wrdreg s20  }
0x14: {  	s0 =	simm.s32 $0x2;
	s1 =	simm.s32 $0x7;
	[dreg:$0x9] =	wrdreg s23  }
0x15: {  	s25 =	simm.s32 $0x4;
	s4 =	simm.s32 $0x8;
	[dreg:$0xa] =	wrdreg s24  }
0x16: {  	s20 =	simm.s32 $0x200;
	s24 =	simm.s32 $0x6200;
	s23 =	simm.s32 $0x3  }
.LBB2_1:
0x17: {  	s7 =	rddreg [dreg:$0x5]  }
0x18: {  	[tilespmem:s16], [sflag:$0x6] =	stream.linear.gather [hbm4b:s7+s3], $0x2000, $0x38;
	[tilespmem:$0x18200] =	vst v63  }
0x19: {  	s9 =	rddreg [dreg:$0x6]  }
0x1a: {  	[tilespmem:s17], [sflag:$0x7] =	stream.linear.gather [hbm4b:s9+s3], $0x4000, $0x38;
	[tilespmem:$0x18200] =	vst v63  }
0x1b: {  	s8 =	rddreg [dreg:$0x7]  }
0x1c: {  	[tilespmem:s3], [sflag:$0xA] =	stream.linear.gather [hbm4b:s8+s3], $0x200, $0x38;
	[tilespmem:$0x18200] =	vst v63  }
0x1d: {  	_ =	swait.ge [sflag:s18], $0x200  }
0x1e: {  	[sflag:s18] =	ssyncset.done $0x0  }
0x1f: {  	[sflag:s18] =	ssyncadd.s32 $0xFFFFFE00  }
0x20: {  	[tilespmem:s20], [sflag:$0x1] =	stream.indirect.gather [hbm4b:s2+s19], $0x80, s3, s19, $0xb8;
	[tilespmem:$0x18200] =	vst v63  }
0x21: {  	_ = 	snop  }
0x22: {  	[tilespmem:s22], [sflag:$0x2] =	stream.indirect.gather [hbm4b:s2+s21], $0x80, s19, s21, $0xb8;
	[tilespmem:$0x18200] =	vst v63  }
0x23: {  	s9 =	simm.s32 $0xC0  }
0x24: {  	[tilespmem:s24], [sflag:$0x3] =	stream.indirect.gather [hbm4b:s2+s21], $0x80, s9, s21, $0xb8;
	[tilespmem:$0x18200] =	vst v63  }
0x25: {  	s8 =	simm.s32 $0x140  }
0x26: {  	[tilespmem:s26], [sflag:$0x4] =	stream.indirect.gather [hbm4b:s2+s21], $0x80, s8, s21, $0xb8;
	[tilespmem:$0x18200] =	vst v63  }
0x27: {  	s9 =	simm.s32 $0x1C0  }
0x28: {  	[tilespmem:s29], [sflag:$0x5] =	stream.indirect.gather [hbm4b:s2+s19], $0x80, s9, s19, $0xb8;
	[tilespmem:$0x18200] =	vst v63  }
0x29: {  	_ =	swait.ge [sflag:s30], $0x2000  }
0x2a: {  	[sflag:s30] =	ssyncset.done $0x0  }
0x2b: {  	[sflag:s30] =	ssyncadd.s32 $0xFFFFE000  }
0x2c: {  	_ =	swait.ge [sflag:s31], $0x2000  }
0x2d: {  	[sflag:s31] =	ssyncset.done $0x0  }
0x2e: {  	s7 =	simm.s32 $0x0;
	[sflag:s31] =	ssyncadd.s32 $0xFFFFE000  }
0x2f: {  	v7 =	vld [tilespmem:s7+$0x10200]  }
0x30: {  	v11 =	vld [tilespmem:s7+$0x10210]  }
0x31: {  	v5 =	vld [tilespmem:s7+$0x10220]  }
0x32: {  	v4 =	vld [tilespmem:s7+$0x10230]  }
0x33: {  	v3 =	vld [tilespmem:s7+$0x10240]  }
0x34: {  	v2 =	vld [tilespmem:s7+$0x10250]  }
0x35: {  	v1 =	vld [tilespmem:s7+$0x10260]  }
0x36: {  	v0 =	vld [tilespmem:s7+$0x10270]  }
0x37: {  	v12 =	vld [tilespmem:s7+$0x200]  }
0x38: {  	v13 =	vld [tilespmem:s7+$0x210]  }
0x39: {  	v10 =	vld [tilespmem:s7+$0x220]  }
0x3a: {  	v9 =	vld [tilespmem:s7+$0x230]  }
0x3b: {  	v8 =	vld [tilespmem:s7+$0x240]  }
0x3c: {  	v6 =	vld [tilespmem:s7+$0x250];
	v12 =	vmul.f32 v7, v12  }
0x3d: {  	s8 =	simm.s32 $0x200;
	v11 =	vmul.f32 v11, v13;
	v7 =	vld [tilespmem:s7+$0x260]  }
.LBB2_2:
0x3e: {  	s9 =	sshra.s32 s8, $0x2;
	p0 =	sne.s32 s8, $0x7E00;
	[tilespmem:s7+$0x200] =	vst v12;
	v5 =	vmul.f32 v5, v10;
	v10 =	vld [tilespmem:s7+$0x270]  }
0x3f: {  	v12 =	vld [tilespmem:s9+$0x10200];
	[tilespmem:s7+$0x210] =	vst v11;
	v4 =	vmul.f32 v4, v9  }
0x40: {  	v11 =	vld [tilespmem:s9+$0x10210];
	[tilespmem:s7+$0x220] =	vst v5;
	v3 =	vmul.f32 v3, v8  }
0x41: {  	v5 =	vld [tilespmem:s9+$0x10220];
	[tilespmem:s7+$0x230] =	vst v4;
	v2 =	vmul.f32 v2, v6  }
0x42: {  	v4 =	vld [tilespmem:s9+$0x10230];
	[tilespmem:s7+$0x240] =	vst v3;
	v1 =	vmul.f32 v1, v7  }
0x43: {  	v3 =	vld [tilespmem:s9+$0x10240];
	[tilespmem:s7+$0x250] =	vst v2;
	v0 =	vmul.f32 v0, v10  }
0x44: {  	v2 =	vld [tilespmem:s9+$0x10250];
	[tilespmem:s7+$0x260] =	vst v1  }
0x45: {  	v1 =	vld [tilespmem:s9+$0x10260];
	[tilespmem:s7+$0x270] =	vst v0;
	s7 =	smov.u32 s9  }
0x46: {  	v0 =	vld [tilespmem:s7+$0x10270]  }
0x47: {  	v6 =	vld [tilespmem:s7+$0x200]  }
0x48: {  	v7 =	vld [tilespmem:s7+$0x210]  }
.Ltmp0:
0x49: {  	v10 =	vld [tilespmem:s7+$0x220];
	(pc) =	sbr.rel @p0 .LBB2_2-.Ltmp0, $4  }
0x4a: {  	v9 =	vld [tilespmem:s7+$0x230]  }
0x4b: {  	v8 =	vld [tilespmem:s7+$0x240]  }
0x4c: {  	v12 =	vmul.f32 v12, v6;
	v6 =	vld [tilespmem:s7+$0x250]  }
0x4d: {  	s8 =	sadd.s32 $0x200, s8;
	v11 =	vmul.f32 v11, v7;
	v7 =	vld [tilespmem:s7+$0x260]  }
0x4e: {  	[tilespmem:s7+$0x200] =	vst v12;
	v5 =	vmul.f32 v5, v10;
	v10 =	vld [tilespmem:s7+$0x270]  }
0x4f: {  	[tilespmem:s7+$0x210] =	vst v11;
	v4 =	vmul.f32 v4, v9  }
0x50: {  	[tilespmem:s7+$0x220] =	vst v5;
	v3 =	vmul.f32 v3, v8  }
0x51: {  	[tilespmem:s7+$0x230] =	vst v4;
	v2 =	vmul.f32 v2, v6  }
0x52: {  	[tilespmem:s7+$0x240] =	vst v3;
	v1 =	vmul.f32 v1, v7  }
0x53: {  	[tilespmem:s7+$0x250] =	vst v2;
	v0 =	vmul.f32 v0, v10  }
0x54: {  	[tilespmem:s7+$0x260] =	vst v1  }
0x55: {  	s8 =	rddreg [dreg:$0x8];
	[tilespmem:s7+$0x270] =	vst v0;
	s7 =	simm.s32 $0x0  }
0x56: {  	[hbm4b:s8+s7] =	stream.linear.scatter [tilespmem:s20], [sflag:$0x8], $0x2000, $0x38;
	[tilespmem:$0x18200] =	vst v63  }
0x57: {  	s9 =	rddreg [dreg:$0x9]  }
0x58: {  	[tilespmem:s16], [sflag:$0x6] =	stream.linear.gather [hbm4b:s9+s7], $0x4000, $0x38;
	[tilespmem:$0x18200] =	vst v63  }
0x59: {  	_ =	swait.ge [sflag:s0], $0x4000  }
0x5a: {  	[sflag:s0] =	ssyncset.done $0x0  }
0x5b: {  	[sflag:s0] =	ssyncadd.s32 $0xFFFFC000  }
0x5c: {  	_ =	swait.ge [sflag:s1], $0x4000  }
0x5d: {  	[sflag:s1] =	ssyncset.done $0x0  }
0x5e: {  	s7 =	simm.s32 $0x0;
	[sflag:s1] =	ssyncadd.s32 $0xFFFFC000  }
0x5f: {  	v7 =	vld [tilespmem:s7+$0x14200]  }
0x60: {  	v11 =	vld [tilespmem:s7+$0x14210]  }
0x61: {  	v5 =	vld [tilespmem:s7+$0x14220]  }
0x62: {  	v4 =	vld [tilespmem:s7+$0x14230]  }
0x63: {  	v3 =	vld [tilespmem:s7+$0x14240]  }
0x64: {  	v2 =	vld [tilespmem:s7+$0x14250]  }
0x65: {  	v1 =	vld [tilespmem:s7+$0x14260]  }
0x66: {  	v0 =	vld [tilespmem:s7+$0x14270]  }
0x67: {  	v12 =	vld [tilespmem:s7+$0x2200]  }
0x68: {  	v13 =	vld [tilespmem:s7+$0x2210]  }
0x69: {  	v10 =	vld [tilespmem:s7+$0x2220]  }
0x6a: {  	v9 =	vld [tilespmem:s7+$0x2230]  }
0x6b: {  	v8 =	vld [tilespmem:s7+$0x2240]  }
0x6c: {  	v6 =	vld [tilespmem:s7+$0x2250];
	v12 =	vmul.f32 v7, v12  }
0x6d: {  	s8 =	simm.s32 $0x200;
	v11 =	vmul.f32 v11, v13;
	v7 =	vld [tilespmem:s7+$0x2260]  }
.LBB2_4:
0x6e: {  	s9 =	sshra.s32 s8, $0x2;
	p0 =	sne.s32 s8, $0xFE00;
	[tilespmem:s7+$0x2200] =	vst v12;
	v5 =	vmul.f32 v5, v10;
	v10 =	vld [tilespmem:s7+$0x2270]  }
0x6f: {  	v12 =	vld [tilespmem:s9+$0x14200];
	[tilespmem:s7+$0x2210] =	vst v11;
	v4 =	vmul.f32 v4, v9  }
0x70: {  	v11 =	vld [tilespmem:s9+$0x14210];
	[tilespmem:s7+$0x2220] =	vst v5;
	v3 =	vmul.f32 v3, v8  }
0x71: {  	v5 =	vld [tilespmem:s9+$0x14220];
	[tilespmem:s7+$0x2230] =	vst v4;
	v2 =	vmul.f32 v2, v6  }
0x72: {  	v4 =	vld [tilespmem:s9+$0x14230];
	[tilespmem:s7+$0x2240] =	vst v3;
	v1 =	vmul.f32 v1, v7  }
0x73: {  	v3 =	vld [tilespmem:s9+$0x14240];
	[tilespmem:s7+$0x2250] =	vst v2;
	v0 =	vmul.f32 v0, v10  }
0x74: {  	v2 =	vld [tilespmem:s9+$0x14250];
	[tilespmem:s7+$0x2260] =	vst v1  }
0x75: {  	v1 =	vld [tilespmem:s9+$0x14260];
	[tilespmem:s7+$0x2270] =	vst v0;
	s7 =	smov.u32 s9  }
0x76: {  	v0 =	vld [tilespmem:s7+$0x14270]  }
0x77: {  	v6 =	vld [tilespmem:s7+$0x2200]  }
0x78: {  	v7 =	vld [tilespmem:s7+$0x2210]  }
.Ltmp1:
0x79: {  	v10 =	vld [tilespmem:s7+$0x2220];
	(pc) =	sbr.rel @p0 .LBB2_4-.Ltmp1, $4  }
0x7a: {  	v9 =	vld [tilespmem:s7+$0x2230]  }
0x7b: {  	v8 =	vld [tilespmem:s7+$0x2240]  }
0x7c: {  	v12 =	vmul.f32 v12, v6;
	v6 =	vld [tilespmem:s7+$0x2250]  }
0x7d: {  	s8 =	sadd.s32 $0x200, s8;
	v11 =	vmul.f32 v11, v7;
	v7 =	vld [tilespmem:s7+$0x2260]  }
0x7e: {  	[tilespmem:s7+$0x2200] =	vst v12;
	v5 =	vmul.f32 v5, v10;
	v10 =	vld [tilespmem:s7+$0x2270]  }
0x7f: {  	[tilespmem:s7+$0x2210] =	vst v11;
	v4 =	vmul.f32 v4, v9  }
0x80: {  	[tilespmem:s7+$0x2220] =	vst v5;
	v3 =	vmul.f32 v3, v8  }
0x81: {  	[tilespmem:s7+$0x2230] =	vst v4;
	v2 =	vmul.f32 v2, v6  }
0x82: {  	[tilespmem:s7+$0x2240] =	vst v3;
	v1 =	vmul.f32 v1, v7  }
0x83: {  	[tilespmem:s7+$0x2250] =	vst v2;
	v0 =	vmul.f32 v0, v10  }
0x84: {  	[tilespmem:s7+$0x2260] =	vst v1  }
0x85: {  	s9 =	simm.s32 $0x0;
	s8 =	rddreg [dreg:$0xa];
	[tilespmem:s7+$0x2270] =	vst v0  }
0x86: {  	[hbm4b:s8+s9] =	stream.linear.scatter [tilespmem:s22], [sflag:$0x9], $0x4000, $0x38;
	[tilespmem:$0x18200] =	vst v63  }
0x87: {  	_ = 	snop  }
0x88: {  	[tilespmem:s17], [sflag:$0x7] =	stream.linear.gather [hbm4b:s10+s9], $0x4000, $0x38;
	[tilespmem:$0x18200] =	vst v63  }
0x89: {  	_ =	swait.ge [sflag:s23], $0x4000  }
0x8a: {  	[sflag:s23] =	ssyncset.done $0x0  }
0x8b: {  	[sflag:s23] =	ssyncadd.s32 $0xFFFFC000  }
0x8c: {  	_ =	swait.ge [sflag:s31], $0x4000  }
0x8d: {  	[sflag:s31] =	ssyncset.done $0x0  }
0x8e: {  	s7 =	simm.s32 $0x0;
	[sflag:s31] =	ssyncadd.s32 $0xFFFFC000  }
0x8f: {  	v7 =	vld [tilespmem:s7+$0x10200]  }
0x90: {  	v11 =	vld [tilespmem:s7+$0x10210]  }
0x91: {  	v5 =	vld [tilespmem:s7+$0x10220]  }
0x92: {  	v4 =	vld [tilespmem:s7+$0x10230]  }
0x93: {  	v3 =	vld [tilespmem:s7+$0x10240]  }
0x94: {  	v2 =	vld [tilespmem:s7+$0x10250]  }
0x95: {  	v1 =	vld [tilespmem:s7+$0x10260]  }
0x96: {  	v0 =	vld [tilespmem:s7+$0x10270]  }
0x97: {  	v12 =	vld [tilespmem:s7+$0x6200]  }
0x98: {  	v13 =	vld [tilespmem:s7+$0x6210]  }
0x99: {  	v10 =	vld [tilespmem:s7+$0x6220]  }
0x9a: {  	v9 =	vld [tilespmem:s7+$0x6230]  }
0x9b: {  	v8 =	vld [tilespmem:s7+$0x6240]  }
0x9c: {  	v6 =	vld [tilespmem:s7+$0x6250];
	v12 =	vmul.f32 v7, v12  }
0x9d: {  	s8 =	simm.s32 $0x200;
	v11 =	vmul.f32 v11, v13;
	v7 =	vld [tilespmem:s7+$0x6260]  }
.LBB2_6:
0x9e: {  	s9 =	sshra.s32 s8, $0x2;
	p0 =	sne.s32 s8, $0xFE00;
	[tilespmem:s7+$0x6200] =	vst v12;
	v5 =	vmul.f32 v5, v10;
	v10 =	vld [tilespmem:s7+$0x6270]  }
0x9f: {  	v12 =	vld [tilespmem:s9+$0x10200];
	[tilespmem:s7+$0x6210] =	vst v11;
	v4 =	vmul.f32 v4, v9  }
0xa0: {  	v11 =	vld [tilespmem:s9+$0x10210];
	[tilespmem:s7+$0x6220] =	vst v5;
	v3 =	vmul.f32 v3, v8  }
0xa1: {  	v5 =	vld [tilespmem:s9+$0x10220];
	[tilespmem:s7+$0x6230] =	vst v4;
	v2 =	vmul.f32 v2, v6  }
0xa2: {  	v4 =	vld [tilespmem:s9+$0x10230];
	[tilespmem:s7+$0x6240] =	vst v3;
	v1 =	vmul.f32 v1, v7  }
0xa3: {  	v3 =	vld [tilespmem:s9+$0x10240];
	[tilespmem:s7+$0x6250] =	vst v2;
	v0 =	vmul.f32 v0, v10  }
0xa4: {  	v2 =	vld [tilespmem:s9+$0x10250];
	[tilespmem:s7+$0x6260] =	vst v1  }
0xa5: {  	v1 =	vld [tilespmem:s9+$0x10260];
	[tilespmem:s7+$0x6270] =	vst v0;
	s7 =	smov.u32 s9  }
0xa6: {  	v0 =	vld [tilespmem:s7+$0x10270]  }
0xa7: {  	v6 =	vld [tilespmem:s7+$0x6200]  }
0xa8: {  	v7 =	vld [tilespmem:s7+$0x6210]  }
.Ltmp2:
0xa9: {  	v10 =	vld [tilespmem:s7+$0x6220];
	(pc) =	sbr.rel @p0 .LBB2_6-.Ltmp2, $4  }
0xaa: {  	v9 =	vld [tilespmem:s7+$0x6230]  }
0xab: {  	v8 =	vld [tilespmem:s7+$0x6240]  }
0xac: {  	v12 =	vmul.f32 v12, v6;
	v6 =	vld [tilespmem:s7+$0x6250]  }
0xad: {  	s8 =	sadd.s32 $0x200, s8;
	v11 =	vmul.f32 v11, v7;
	v7 =	vld [tilespmem:s7+$0x6260]  }
0xae: {  	[tilespmem:s7+$0x6200] =	vst v12;
	v5 =	vmul.f32 v5, v10;
	v10 =	vld [tilespmem:s7+$0x6270]  }
0xaf: {  	[tilespmem:s7+$0x6210] =	vst v11;
	v4 =	vmul.f32 v4, v9  }
0xb0: {  	[tilespmem:s7+$0x6220] =	vst v5;
	v3 =	vmul.f32 v3, v8  }
0xb1: {  	[tilespmem:s7+$0x6230] =	vst v4;
	v2 =	vmul.f32 v2, v6  }
0xb2: {  	[tilespmem:s7+$0x6240] =	vst v3;
	v1 =	vmul.f32 v1, v7  }
0xb3: {  	[tilespmem:s7+$0x6250] =	vst v2;
	v0 =	vmul.f32 v0, v10  }
0xb4: {  	[tilespmem:s7+$0x6260] =	vst v1  }
0xb5: {  	s9 =	simm.s32 $0x0;
	[tilespmem:s7+$0x6270] =	vst v0  }
0xb6: {  	[hbm4b:s11+s9] =	stream.linear.scatter [tilespmem:s24], [sflag:$0x8], $0x4000, $0x38;
	[tilespmem:$0x18200] =	vst v63  }
0xb7: {  	_ = 	snop  }
0xb8: {  	[tilespmem:s16], [sflag:$0x6] =	stream.linear.gather [hbm4b:s12+s9], $0x2000, $0x38;
	[tilespmem:$0x18200] =	vst v63  }
0xb9: {  	_ =	swait.ge [sflag:s25], $0x4000  }
0xba: {  	[sflag:s25] =	ssyncset.done $0x0  }
0xbb: {  	[sflag:s25] =	ssyncadd.s32 $0xFFFFC000  }
0xbc: {  	_ =	swait.ge [sflag:s1], $0x4000  }
0xbd: {  	[sflag:s1] =	ssyncset.done $0x0  }
0xbe: {  	s7 =	simm.s32 $0x0;
	[sflag:s1] =	ssyncadd.s32 $0xFFFFC000  }
0xbf: {  	v7 =	vld [tilespmem:s7+$0x14200]  }
0xc0: {  	v11 =	vld [tilespmem:s7+$0x14210]  }
0xc1: {  	v5 =	vld [tilespmem:s7+$0x14220]  }
0xc2: {  	v4 =	vld [tilespmem:s7+$0x14230]  }
0xc3: {  	v3 =	vld [tilespmem:s7+$0x14240]  }
0xc4: {  	v2 =	vld [tilespmem:s7+$0x14250]  }
0xc5: {  	v1 =	vld [tilespmem:s7+$0x14260]  }
0xc6: {  	v0 =	vld [tilespmem:s7+$0x14270]  }
0xc7: {  	v12 =	vld [tilespmem:s7+$0xA200]  }
0xc8: {  	v13 =	vld [tilespmem:s7+$0xA210]  }
0xc9: {  	v10 =	vld [tilespmem:s7+$0xA220]  }
0xca: {  	v9 =	vld [tilespmem:s7+$0xA230]  }
0xcb: {  	v8 =	vld [tilespmem:s7+$0xA240]  }
0xcc: {  	v6 =	vld [tilespmem:s7+$0xA250];
	v12 =	vmul.f32 v7, v12  }
0xcd: {  	s8 =	simm.s32 $0x200;
	v11 =	vmul.f32 v11, v13;
	v7 =	vld [tilespmem:s7+$0xA260]  }
.LBB2_8:
0xce: {  	s9 =	sshra.s32 s8, $0x2;
	p0 =	sne.s32 s8, $0xFE00;
	[tilespmem:s7+$0xA200] =	vst v12;
	v5 =	vmul.f32 v5, v10;
	v10 =	vld [tilespmem:s7+$0xA270]  }
0xcf: {  	v12 =	vld [tilespmem:s9+$0x14200];
	[tilespmem:s7+$0xA210] =	vst v11;
	v4 =	vmul.f32 v4, v9  }
0xd0: {  	v11 =	vld [tilespmem:s9+$0x14210];
	[tilespmem:s7+$0xA220] =	vst v5;
	v3 =	vmul.f32 v3, v8  }
0xd1: {  	v5 =	vld [tilespmem:s9+$0x14220];
	[tilespmem:s7+$0xA230] =	vst v4;
	v2 =	vmul.f32 v2, v6  }
0xd2: {  	v4 =	vld [tilespmem:s9+$0x14230];
	[tilespmem:s7+$0xA240] =	vst v3;
	v1 =	vmul.f32 v1, v7  }
0xd3: {  	v3 =	vld [tilespmem:s9+$0x14240];
	[tilespmem:s7+$0xA250] =	vst v2;
	v0 =	vmul.f32 v0, v10  }
0xd4: {  	v2 =	vld [tilespmem:s9+$0x14250];
	[tilespmem:s7+$0xA260] =	vst v1  }
0xd5: {  	v1 =	vld [tilespmem:s9+$0x14260];
	[tilespmem:s7+$0xA270] =	vst v0;
	s7 =	smov.u32 s9  }
0xd6: {  	v0 =	vld [tilespmem:s7+$0x14270]  }
0xd7: {  	v6 =	vld [tilespmem:s7+$0xA200]  }
0xd8: {  	v7 =	vld [tilespmem:s7+$0xA210]  }
.Ltmp3:
0xd9: {  	v10 =	vld [tilespmem:s7+$0xA220];
	(pc) =	sbr.rel @p0 .LBB2_8-.Ltmp3, $4  }
0xda: {  	v9 =	vld [tilespmem:s7+$0xA230]  }
0xdb: {  	v8 =	vld [tilespmem:s7+$0xA240]  }
0xdc: {  	v12 =	vmul.f32 v12, v6;
	v6 =	vld [tilespmem:s7+$0xA250]  }
0xdd: {  	s8 =	sadd.s32 $0x200, s8;
	v11 =	vmul.f32 v11, v7;
	v7 =	vld [tilespmem:s7+$0xA260]  }
0xde: {  	[tilespmem:s7+$0xA200] =	vst v12;
	v5 =	vmul.f32 v5, v10;
	v10 =	vld [tilespmem:s7+$0xA270]  }
0xdf: {  	[tilespmem:s7+$0xA210] =	vst v11;
	v4 =	vmul.f32 v4, v9  }
0xe0: {  	[tilespmem:s7+$0xA220] =	vst v5;
	v3 =	vmul.f32 v3, v8  }
0xe1: {  	[tilespmem:s7+$0xA230] =	vst v4;
	v2 =	vmul.f32 v2, v6  }
0xe2: {  	[tilespmem:s7+$0xA240] =	vst v3;
	v1 =	vmul.f32 v1, v7  }
0xe3: {  	[tilespmem:s7+$0xA250] =	vst v2;
	v0 =	vmul.f32 v0, v10  }
0xe4: {  	[tilespmem:s7+$0xA260] =	vst v1  }
0xe5: {  	s9 =	simm.s32 $0x0;
	[tilespmem:s7+$0xA270] =	vst v0  }
0xe6: {  	[hbm4b:s13+s9] =	stream.linear.scatter [tilespmem:s26], [sflag:$0x9], $0x4000, $0x38;
	[tilespmem:$0x18200] =	vst v63  }
0xe7: {  	_ =	swait.ge [sflag:s28], $0x2000  }
0xe8: {  	[sflag:s28] =	ssyncset.done $0x0  }
0xe9: {  	[sflag:s28] =	ssyncadd.s32 $0xFFFFE000  }
0xea: {  	_ =	swait.ge [sflag:s31], $0x2000  }
0xeb: {  	[sflag:s31] =	ssyncset.done $0x0  }
0xec: {  	s7 =	simm.s32 $0x0;
	[sflag:s31] =	ssyncadd.s32 $0xFFFFE000  }
0xed: {  	v7 =	vld [tilespmem:s7+$0x10200]  }
0xee: {  	v11 =	vld [tilespmem:s7+$0x10210]  }
0xef: {  	v5 =	vld [tilespmem:s7+$0x10220]  }
0xf0: {  	v4 =	vld [tilespmem:s7+$0x10230]  }
0xf1: {  	v3 =	vld [tilespmem:s7+$0x10240]  }
0xf2: {  	v2 =	vld [tilespmem:s7+$0x10250]  }
0xf3: {  	v1 =	vld [tilespmem:s7+$0x10260]  }
0xf4: {  	v0 =	vld [tilespmem:s7+$0x10270]  }
0xf5: {  	v12 =	vld [tilespmem:s7+$0xE200]  }
0xf6: {  	v13 =	vld [tilespmem:s7+$0xE210]  }
0xf7: {  	v10 =	vld [tilespmem:s7+$0xE220]  }
0xf8: {  	v9 =	vld [tilespmem:s7+$0xE230]  }
0xf9: {  	v8 =	vld [tilespmem:s7+$0xE240]  }
0xfa: {  	v6 =	vld [tilespmem:s7+$0xE250];
	v12 =	vmul.f32 v7, v12  }
0xfb: {  	s8 =	simm.s32 $0x200;
	v11 =	vmul.f32 v11, v13;
	v7 =	vld [tilespmem:s7+$0xE260]  }
.LBB2_10:
0xfc: {  	s9 =	sshra.s32 s8, $0x2;
	p0 =	sne.s32 s8, $0x7E00;
	[tilespmem:s7+$0xE200] =	vst v12;
	v5 =	vmul.f32 v5, v10;
	v10 =	vld [tilespmem:s7+$0xE270]  }
0xfd: {  	v12 =	vld [tilespmem:s9+$0x10200];
	[tilespmem:s7+$0xE210] =	vst v11;
	v4 =	vmul.f32 v4, v9  }
0xfe: {  	v11 =	vld [tilespmem:s9+$0x10210];
	[tilespmem:s7+$0xE220] =	vst v5;
	v3 =	vmul.f32 v3, v8  }
0xff: {  	v5 =	vld [tilespmem:s9+$0x10220];
	[tilespmem:s7+$0xE230] =	vst v4;
	v2 =	vmul.f32 v2, v6  }
0x100: {  	v4 =	vld [tilespmem:s9+$0x10230];
	[tilespmem:s7+$0xE240] =	vst v3;
	v1 =	vmul.f32 v1, v7  }
0x101: {  	v3 =	vld [tilespmem:s9+$0x10240];
	[tilespmem:s7+$0xE250] =	vst v2;
	v0 =	vmul.f32 v0, v10  }
0x102: {  	v2 =	vld [tilespmem:s9+$0x10250];
	[tilespmem:s7+$0xE260] =	vst v1  }
0x103: {  	v1 =	vld [tilespmem:s9+$0x10260];
	[tilespmem:s7+$0xE270] =	vst v0;
	s7 =	smov.u32 s9  }
0x104: {  	v0 =	vld [tilespmem:s7+$0x10270]  }
0x105: {  	v6 =	vld [tilespmem:s7+$0xE200]  }
0x106: {  	v7 =	vld [tilespmem:s7+$0xE210]  }
.Ltmp4:
0x107: {  	v10 =	vld [tilespmem:s7+$0xE220];
	(pc) =	sbr.rel @p0 .LBB2_10-.Ltmp4, $4  }
0x108: {  	v9 =	vld [tilespmem:s7+$0xE230]  }
0x109: {  	v8 =	vld [tilespmem:s7+$0xE240]  }
0x10a: {  	v12 =	vmul.f32 v12, v6;
	v6 =	vld [tilespmem:s7+$0xE250]  }
0x10b: {  	s8 =	sadd.s32 $0x200, s8;
	v11 =	vmul.f32 v11, v7;
	v7 =	vld [tilespmem:s7+$0xE260]  }
0x10c: {  	[tilespmem:s7+$0xE200] =	vst v12;
	v5 =	vmul.f32 v5, v10;
	v63 =	vld [tilespmem:s7+$0xE270]  }
0x10d: {  	[tilespmem:s7+$0xE210] =	vst v11;
	v4 =	vmul.f32 v4, v9  }
0x10e: {  	[tilespmem:s7+$0xE220] =	vst v5;
	v3 =	vmul.f32 v3, v8  }
0x10f: {  	[tilespmem:s7+$0xE230] =	vst v4;
	v2 =	vmul.f32 v2, v6  }
0x110: {  	[tilespmem:s7+$0xE240] =	vst v3;
	v1 =	vmul.f32 v1, v7  }
0x111: {  	[tilespmem:s7+$0xE250] =	vst v2;
	v0 =	vmul.f32 v0, v63  }
0x112: {  	[tilespmem:s7+$0xE260] =	vst v1  }
0x113: {  	[tilespmem:s7+$0xE270] =	vst v0  }
0x114: {  	[hbm4b:s14+s3] =	stream.linear.scatter [tilespmem:s29], [sflag:$0x8], $0x2000, $0x38;
	[tilespmem:$0x18200] =	vst v63  }
0x115: {  	_ =	swait.ge [sflag:s4], $0x2000  }
0x116: {  	[sflag:s4] =	ssyncset.done $0x0  }
0x117: {  	[sflag:s4] =	ssyncadd.s32 $0xFFFFE000  }
0x118: {  	_ =	swait.ge [sflag:s5], $0x4000  }
0x119: {  	[sflag:s5] =	ssyncset.done $0x0  }
0x11a: {  	[sflag:s5] =	ssyncadd.s32 $0xFFFFC000  }
0x11b: {  	_ =	swait.ge [sflag:s4], $0x4000  }
0x11c: {  	[sflag:s4] =	ssyncset.done $0x0  }
0x11d: {  	s6 =	sadd.s32 $0x1, s6;
	[sflag:s4] =	ssyncadd.s32 $0xFFFFC000  }
0x11e: {  	p0 =	sne.s32 s6, s15;
	_ =	swait.ge [sflag:s5], $0x4000  }
.Ltmp5:
0x11f: {  	[sflag:s5] =	ssyncset.done $0x0;
	(pc) =	sbr.rel @p0 .LBB2_1-.Ltmp5, $4  }
0x120: {  	[sflag:s5] =	ssyncadd.s32 $0xFFFFC000  }
0x121: {  	_ =	swait.ge [sflag:s4], $0x2000  }
0x122: {  	[sflag:s4] =	ssyncset.done $0x0  }
0x123: {  	[sflag:s4] =	ssyncadd.s32 $0xFFFFE000  }
0x124: {  	_ =	sfence.sel $0x180000  }
0x125: {  	[bflag:$0x0] =	sbarrier.arrive $0xFFFF  }
0x126: {  	_ =	strace $0x90000047  }
0x127: {  	s0 =	stileid.u32;
	[bflag:$0x2] =	sbarrier.arrive $0xFFFF  }
0x128: {  	p0 =	sne.s32 s0, $0x0;
	s0 =	rddreg [dreg:$0x4]  }
0x129: {  	s0 =	sadd.s32 @!p0 $0x100000, s0  }
0x12a: {  	[sflag:s0] =	ssyncadd.tile.s32 @!p0 $0x1;
	_ =	shalt  }
.Lfunc_end2:
_tile_overlayer_lowered:
.L_overlay_start_2:
0x12b: {  	(tag) =	ssettag $0x2  }
0x12c: {  	s0 =	rddreg [dreg:$0x0];
	s2 =	stileid.u32  }
0x12d: {  	s1 =	rddreg [dreg:$0x1];
	p0 =	sne.s32 s2, $0x0  }
0x12e: {  	s3 =	rddreg [dreg:$0x2];
	[bflag:$0x3] =	sbarrier.arrive $0xFFFF;
	s2 =	simm.s32 @!p0 $0x1C0A  }
0x12f: {  	[timem:s3], [sflag:s2] =	dma.local @!p0 [hbm:s0], s1  }
0x130: {  	s0 =	simm.s32 @!p0 $0xA  }
0x131: {  	_ =	swait.ge @!p0 [sflag:s0], s1  }
0x132: {  	s1 =	ssub.s32 @!p0 $0x0, s1;
	[sflag:s0] =	ssyncset.done @!p0 $0x0  }
0x133: {  	[sflag:s0] =	ssyncadd.s32 @!p0 s1  }
0x134: {  	[bflag:$0x3] =	sbarrier.arrive $0xFFFF  }
0x135: {  	_ =	shalt  }

</sc_bundles>
